<compile_context>
chip_gen: v7x
topology: tpu7x:2x2x1
jax: 0.10.2.dev20260603
libtpu: 0.0.44.dev20260713+nightly
codegen_flags: <defaults>
</compile_context>

<pallas_src>
import functools

import jax
import jax.numpy as jnp
from jax import lax
from jax.experimental import pallas as pl
from jax.experimental.pallas import tpu as pltpu
from jax.experimental.pallas import tpu_sc as plsc

NC = 2
NS = 16
NW = NC * NS

BATCH = 128
SUPER = 8
GROUP = 2


@functools.lru_cache(maxsize=None)
def _make_gather(n_rows: int, dim: int, lanes: int):
    assert n_rows % (NW * SUPER) == 0
    rows_per_w = n_rows // NW
    n_super = rows_per_w // SUPER

    n_vec = dim // 16
    tail = dim - 16 * n_vec
    t_off = dim - 16

    mesh = plsc.VectorSubcoreMesh(core_axis_name="c", subcore_axis_name="s")

    @functools.partial(
        pl.kernel,
        mesh=mesh,
        out_type=jax.ShapeDtypeStruct((n_rows * BATCH, dim), jnp.float32),
        scratch_types=[
            pltpu.VMEM((2, SUPER, BATCH), jnp.int32),
            pltpu.VMEM((2, GROUP, BATCH, lanes), jnp.float32),
            pltpu.VMEM((GROUP * BATCH, dim), jnp.float32),
            pltpu.SemaphoreType.DMA,
        ],
        compiler_params=pltpu.CompilerParams(use_tc_tiling_on_sc=True),
    )
    def k(emb_hbm, xg_hbm, out_hbm, idx_v, rows_v, comp_v, sem_g):
        wid = lax.axis_index("s") * NC + lax.axis_index("c")
        row_base = wid * rows_per_w

        def fetch_idx(sb, sg):
            pltpu.sync_copy(
                xg_hbm.at[pl.ds(row_base + sg * SUPER, SUPER)], idx_v.at[sb]
            )

        def fire(buf, sb, jj):
            for j in range(GROUP):
                pltpu.async_copy(
                    emb_hbm.at[idx_v.at[sb, jj + j]], rows_v.at[buf, j], sem_g
                )

        def drain(buf, sb, jj):
            for j in range(GROUP):
                pltpu.make_async_copy(
                    emb_hbm.at[idx_v.at[sb, jj + j]], rows_v.at[buf, j], sem_g
                ).wait()

        def process(buf, g):
            for j in range(GROUP):

                def row_body(r, carry, j=j):
                    d = j * BATCH + r
                    for v in range(n_vec):
                        comp_v[d, pl.ds(16 * v, 16)] = rows_v[
                            buf, j, r, pl.ds(16 * v, 16)
                        ]
                    if tail:
                        comp_v[d, pl.ds(t_off, 16)] = rows_v[
                            buf, j, r, pl.ds(t_off, 16)
                        ]
                    return carry

                lax.fori_loop(0, BATCH, row_body, 0)

            pltpu.sync_copy(
                comp_v,
                out_hbm.at[pl.ds((row_base + g * GROUP) * BATCH,
                                 GROUP * BATCH)],
            )

        n_grp = SUPER // GROUP

        fetch_idx(0, 0)
        fire(0, 0, 0)

        def super_body(sg, carry):
            sb = lax.rem(sg, 2)

            @pl.when(sg + 1 < n_super)
            def _():
                fetch_idx(1 - sb, sg + 1)

            for i in range(n_grp):
                b = i % 2
                drain(b, sb, i * GROUP)
                if i + 1 < n_grp:
                    fire(1 - b, sb, (i + 1) * GROUP)
                else:

                    @pl.when(sg + 1 < n_super)
                    def _():
                        fire(1 - b, 1 - sb, 0)

                process(b, sg * n_grp + i)
            return carry

        lax.fori_loop(0, n_super, super_body, 0)

    return k


def kernel(x, emb):
    b, s = x.shape
    v, d = emb.shape
    n = b * s
    assert n % BATCH == 0
    lanes = 128
    emb_p = jnp.pad(emb, ((0, 0), (0, lanes - d)))
    xg = x.reshape(n // BATCH, BATCH).astype(jnp.int32)
    out = _make_gather(n // BATCH, d, lanes)(emb_p.astype(jnp.float32), xg)
    return out.reshape(b, s, d)

# --- scband reference (transcript-rebuilt; emitter-appended) ---
"""Pipeline reference for scband-glove-embedding-42588895707232 (READ-ONLY COPY).

The authoritative reference and input builder live on the scoring server;
editing this copy changes nothing except your own understanding.
"""

import jax, jax.numpy as jnp
import numpy as np

VOCAB = 400003
DIM = 50

def setup_inputs(seed: int = 0) -> dict:
    key = jax.random.key(seed)
    k_idx, k_tab = jax.random.split(key)
    x = jax.random.randint(k_idx, (16384, 200), 0, VOCAB, dtype=jnp.int64 if jax.config.jax_enable_x64 else jnp.int32)
    # Emulate the GloVe embedding matrix (normally loaded from file): zeros rows for
    # <UNK>/<PAD>, random row for <EOS>, and pretrained-like values elsewhere.
    emb = jax.random.normal(k_tab, (VOCAB, DIM), dtype=jnp.float32) * 0.4
    emb = emb.at[0].set(0.0)  # <UNK>
    emb = emb.at[1].set(0.0)  # <PAD>
    return {"x": x, "emb": emb}

def reference(x, emb):
    # nn.Embedding.from_pretrained(emb_mat)(x) == gather rows of the table
    return jnp.take(emb, x, axis=0)

if __name__ == "__main__":
    import jax
    _d = setup_inputs()
    print(jax.jit(kernel)(*tuple(_d.values())))

</pallas_src>

<mosaic_0001>
#map = affine_map<(d0, d1) -> (0, 0)>
module attributes {stable_mosaic.version = 14 : i64} {
  func.func @k(%arg0: i32, %arg1: i32, %arg2: memref<400003x128xf32, #tpu.memory_space<hbm>>, %arg3: memref<25600x128xi32, #tpu.memory_space<hbm>>, %arg4: memref<3276800x50xf32, #tpu.memory_space<hbm>>, %arg5: memref<2x8x128xi32, #tpu.memory_space<vmem>>, %arg6: memref<2x2x128x128xf32, #tpu.memory_space<vmem>>, %arg7: memref<256x50xf32, #tpu.memory_space<vmem>>, %arg8: memref<!tpu.dma_semaphore, #tpu.memory_space<semaphore_mem>>) attributes {dimension_semantics = [#tpu.dimension_semantics<core_parallel>, #tpu.dimension_semantics<subcore_parallel>], iteration_bounds = array<i64: 2, 16>, scalar_prefetch = 0 : i64, scratch_operands = 4 : i64, tpu.core_type = #tpu.core_type<sc_vector_subcore>, window_params = [{transform_indices = #map}, {transform_indices = #map}, {transform_indices = #map}]} {
    %mul3A = arith.constant 2 : i32
    %mul3A_0 = arith.muli %arg1, %mul3A : i32
    %add3A = arith.addi %mul3A_0, %arg0 : i32
    %mul3A_1 = arith.constant 800 : i32
    %mul3A_2 = arith.muli %add3A, %mul3A_1 : i32
    %add3A_3 = arith.constant 0 : i32
    %add3A_4 = arith.addi %mul3A_2, %add3A_3 : i32
    %run_scoped3A = arith.constant 0 : i32
    "tpu.region"() ({
      %run_scoped3A_37 = tpu.sem_alloc : memref<!tpu.dma_semaphore, #tpu.memory_space<semaphore_mem>>
      %dma_start3A_38 = arith.constant 0 : i32
      %dma_start3A_39 = arith.constant 0 : i32
      %dma_start3A_40 = tpu.memref_slice %arg5[%run_scoped3A, %dma_start3A_38, %dma_start3A_39] : memref<2x8x128xi32, #tpu.memory_space<vmem>> -> memref<1x8x128xi32, #tpu.memory_space<vmem>>
      %dma_start3A_41 = tpu.memref_squeeze %dma_start3A_40 : memref<1x8x128xi32, #tpu.memory_space<vmem>> -> memref<8x128xi32, #tpu.memory_space<vmem>>
      %dma_start3A_42 = arith.constant 0 : i32
      %dma_start3A_43 = tpu.memref_slice %arg3[%add3A_4, %dma_start3A_42] : memref<25600x128xi32, #tpu.memory_space<hbm>> -> memref<8x128xi32, #tpu.memory_space<hbm>>
      %dma_start3A_44 = arith.constant 0 : i32
      %dma_start3A_45 = arith.constant 0 : i32
      %dma_start3A_46 = tpu.memref_slice %arg5[%run_scoped3A, %dma_start3A_44, %dma_start3A_45] : memref<2x8x128xi32, #tpu.memory_space<vmem>> -> memref<1x8x128xi32, #tpu.memory_space<vmem>>
      %dma_start3A_47 = tpu.memref_squeeze %dma_start3A_46 : memref<1x8x128xi32, #tpu.memory_space<vmem>> -> memref<8x128xi32, #tpu.memory_space<vmem>>
      %dma_start3A_48 = arith.constant 0 : i32
      %dma_start3A_49 = tpu.memref_slice %arg3[%add3A_4, %dma_start3A_48] : memref<25600x128xi32, #tpu.memory_space<hbm>> -> memref<8x128xi32, #tpu.memory_space<hbm>>
      tpu.enqueue_dma source(%dma_start3A_49 : memref<8x128xi32, #tpu.memory_space<hbm>>) target(%dma_start3A_47 : memref<8x128xi32, #tpu.memory_space<vmem>>) target_semaphore(%run_scoped3A_37 : memref<!tpu.dma_semaphore, #tpu.memory_space<semaphore_mem>>)
      %dma_wait3A = arith.constant 0 : i32
      %dma_wait3A_50 = arith.constant 0 : i32
      %dma_wait3A_51 = tpu.memref_slice %arg5[%run_scoped3A, %dma_wait3A, %dma_wait3A_50] : memref<2x8x128xi32, #tpu.memory_space<vmem>> -> memref<1x8x128xi32, #tpu.memory_space<vmem>>
      %dma_wait3A_52 = tpu.memref_squeeze %dma_wait3A_51 : memref<1x8x128xi32, #tpu.memory_space<vmem>> -> memref<8x128xi32, #tpu.memory_space<vmem>>
      %dma_wait3A_53 = arith.constant 0 : i32
      %dma_wait3A_54 = tpu.memref_slice %arg3[%add3A_4, %dma_wait3A_53] : memref<25600x128xi32, #tpu.memory_space<hbm>> -> memref<8x128xi32, #tpu.memory_space<hbm>>
      %dma_wait3A_55 = arith.constant 0 : i32
      %dma_wait3A_56 = arith.constant 0 : i32
      %dma_wait3A_57 = tpu.memref_slice %arg5[%run_scoped3A, %dma_wait3A_55, %dma_wait3A_56] : memref<2x8x128xi32, #tpu.memory_space<vmem>> -> memref<1x8x128xi32, #tpu.memory_space<vmem>>
      %dma_wait3A_58 = tpu.memref_squeeze %dma_wait3A_57 : memref<1x8x128xi32, #tpu.memory_space<vmem>> -> memref<8x128xi32, #tpu.memory_space<vmem>>
      %dma_wait3A_59 = arith.constant 0 : i32
      %dma_wait3A_60 = tpu.memref_slice %arg3[%add3A_4, %dma_wait3A_59] : memref<25600x128xi32, #tpu.memory_space<hbm>> -> memref<8x128xi32, #tpu.memory_space<hbm>>
      tpu.wait_dma2 semaphore(%run_scoped3A_37 : memref<!tpu.dma_semaphore, #tpu.memory_space<semaphore_mem>>) src(%dma_wait3A_60 : memref<8x128xi32, #tpu.memory_space<hbm>>) dst(%dma_wait3A_58 : memref<8x128xi32, #tpu.memory_space<vmem>>)
      tpu.yield
    }) : () -> ()
    %dma_start3A = arith.constant 0 : i32
    %dma_start3A_5 = arith.constant 0 : i32
    %dma_start3A_6 = arith.constant 0 : i32
    %dma_start3A_7 = arith.constant 0 : i32
    %dma_start3A_8 = arith.constant 0 : i32
    %dma_start3A_9 = arith.constant 0 : i32
    %dma_start3A_10 = tpu.memref_slice %arg6[%dma_start3A_6, %dma_start3A_7, %dma_start3A_8, %dma_start3A_9] : memref<2x2x128x128xf32, #tpu.memory_space<vmem>> -> memref<1x1x128x128xf32, #tpu.memory_space<vmem>>
    %dma_start3A_11 = tpu.memref_squeeze %dma_start3A_10 : memref<1x1x128x128xf32, #tpu.memory_space<vmem>> -> memref<128x128xf32, #tpu.memory_space<vmem>>
    %dma_start3A_12 = arith.constant 0 : i32
    %dma_start3A_13 = tpu.memref_slice %arg5[%dma_start3A, %dma_start3A_5, %dma_start3A_12] : memref<2x8x128xi32, #tpu.memory_space<vmem>> -> memref<1x1x128xi32, #tpu.memory_space<vmem>>
    %dma_start3A_14 = tpu.memref_squeeze %dma_start3A_13 : memref<1x1x128xi32, #tpu.memory_space<vmem>> -> memref<128xi32, #tpu.memory_space<vmem>>
    %dma_start3A_15 = arith.constant 0 : i32
    %dma_start3A_16 = arith.constant 0 : i32
    %dma_start3A_17 = tpu.memref_slice %arg2[%dma_start3A_15, %dma_start3A_16] : memref<400003x128xf32, #tpu.memory_space<hbm>> -> memref<400003x128xf32, #tpu.memory_space<hbm>>
    tpu.enqueue_indirect_dma source(%dma_start3A_17 : memref<400003x128xf32, #tpu.memory_space<hbm>>) target(%dma_start3A_11 : memref<128x128xf32, #tpu.memory_space<vmem>>) offsets(%dma_start3A_14 : memref<128xi32, #tpu.memory_space<vmem>>) semaphore(%arg8 : memref<!tpu.dma_semaphore, #tpu.memory_space<semaphore_mem>>)
    %dma_start3A_18 = arith.constant 0 : i32
    %dma_start3A_19 = arith.constant 1 : i32
    %dma_start3A_20 = arith.constant 0 : i32
    %dma_start3A_21 = arith.constant 1 : i32
    %dma_start3A_22 = arith.constant 0 : i32
    %dma_start3A_23 = arith.constant 0 : i32
    %dma_start3A_24 = tpu.memref_slice %arg6[%dma_start3A_20, %dma_start3A_21, %dma_start3A_22, %dma_start3A_23] : memref<2x2x128x128xf32, #tpu.memory_space<vmem>> -> memref<1x1x128x128xf32, #tpu.memory_space<vmem>>
    %dma_start3A_25 = tpu.memref_squeeze %dma_start3A_24 : memref<1x1x128x128xf32, #tpu.memory_space<vmem>> -> memref<128x128xf32, #tpu.memory_space<vmem>>
    %dma_start3A_26 = arith.constant 0 : i32
    %dma_start3A_27 = tpu.memref_slice %arg5[%dma_start3A_18, %dma_start3A_19, %dma_start3A_26] : memref<2x8x128xi32, #tpu.memory_space<vmem>> -> memref<1x1x128xi32, #tpu.memory_space<vmem>>
    %dma_start3A_28 = tpu.memref_squeeze %dma_start3A_27 : memref<1x1x128xi32, #tpu.memory_space<vmem>> -> memref<128xi32, #tpu.memory_space<vmem>>
    %dma_start3A_29 = arith.constant 0 : i32
    %dma_start3A_30 = arith.constant 0 : i32
    %dma_start3A_31 = tpu.memref_slice %arg2[%dma_start3A_29, %dma_start3A_30] : memref<400003x128xf32, #tpu.memory_space<hbm>> -> memref<400003x128xf32, #tpu.memory_space<hbm>>
    tpu.enqueue_indirect_dma source(%dma_start3A_31 : memref<400003x128xf32, #tpu.memory_space<hbm>>) target(%dma_start3A_25 : memref<128x128xf32, #tpu.memory_space<vmem>>) offsets(%dma_start3A_28 : memref<128xi32, #tpu.memory_space<vmem>>) semaphore(%arg8 : memref<!tpu.dma_semaphore, #tpu.memory_space<semaphore_mem>>)
    %scan3A = arith.constant 0 : i32
    %scan3A_32 = arith.constant 0 : i32
    %scan3A_33 = arith.constant 100 : i32
    %scan3A_34 = arith.addi %scan3A_32, %scan3A_33 : i32
    %scan3A_35 = arith.constant 1 : i32
    scf.for %scan3A_37 = %scan3A_32 to %scan3A_34 step %scan3A_35  : i32 {
      %rem3A = arith.constant 2 : i32
      %rem3A_38 = arith.remsi %scan3A_37, %rem3A : i32
      %add3A_39 = arith.constant 1 : i32
      %add3A_40 = arith.addi %scan3A_37, %add3A_39 : i32
      %lt3A = arith.constant 100 : i32
      %lt3A_41 = arith.cmpi slt, %add3A_40, %lt3A : i32
      %convert_element_type3A = arith.extui %lt3A_41 : i1 to i32
      %cond3A = arith.constant 0 : i32
      %cond3A_42 = arith.cmpi ne, %convert_element_type3A, %cond3A : i32
      scf.if %cond3A_42 {
        %sub3A = arith.constant 1 : i32
        %sub3A_315 = arith.subi %sub3A, %rem3A_38 : i32
        %add3A_316 = arith.constant 1 : i32
        %add3A_317 = arith.addi %scan3A_37, %add3A_316 : i32
        %mul3A_318 = arith.constant 8 : i32
        %mul3A_319 = arith.muli %add3A_317, %mul3A_318 : i32
        %add3A_320 = arith.addi %mul3A_2, %mul3A_319 : i32
        "tpu.region"() ({
          %run_scoped3A_321 = tpu.sem_alloc : memref<!tpu.dma_semaphore, #tpu.memory_space<semaphore_mem>>
          %dma_start3A_322 = arith.constant 0 : i32
          %dma_start3A_323 = arith.constant 0 : i32
          %dma_start3A_324 = tpu.memref_slice %arg5[%sub3A_315, %dma_start3A_322, %dma_start3A_323] : memref<2x8x128xi32, #tpu.memory_space<vmem>> -> memref<1x8x128xi32, #tpu.memory_space<vmem>>
          %dma_start3A_325 = tpu.memref_squeeze %dma_start3A_324 : memref<1x8x128xi32, #tpu.memory_space<vmem>> -> memref<8x128xi32, #tpu.memory_space<vmem>>
          %dma_start3A_326 = arith.constant 0 : i32
          %dma_start3A_327 = tpu.memref_slice %arg3[%add3A_320, %dma_start3A_326] : memref<25600x128xi32, #tpu.memory_space<hbm>> -> memref<8x128xi32, #tpu.memory_space<hbm>>
          %dma_start3A_328 = arith.constant 0 : i32
          %dma_start3A_329 = arith.constant 0 : i32
          %dma_start3A_330 = tpu.memref_slice %arg5[%sub3A_315, %dma_start3A_328, %dma_start3A_329] : memref<2x8x128xi32, #tpu.memory_space<vmem>> -> memref<1x8x128xi32, #tpu.memory_space<vmem>>
          %dma_start3A_331 = tpu.memref_squeeze %dma_start3A_330 : memref<1x8x128xi32, #tpu.memory_space<vmem>> -> memref<8x128xi32, #tpu.memory_space<vmem>>
          %dma_start3A_332 = arith.constant 0 : i32
          %dma_start3A_333 = tpu.memref_slice %arg3[%add3A_320, %dma_start3A_332] : memref<25600x128xi32, #tpu.memory_space<hbm>> -> memref<8x128xi32, #tpu.memory_space<hbm>>
          tpu.enqueue_dma source(%dma_start3A_333 : memref<8x128xi32, #tpu.memory_space<hbm>>) target(%dma_start3A_331 : memref<8x128xi32, #tpu.memory_space<vmem>>) target_semaphore(%run_scoped3A_321 : memref<!tpu.dma_semaphore, #tpu.memory_space<semaphore_mem>>)
          %dma_wait3A_334 = arith.constant 0 : i32
          %dma_wait3A_335 = arith.constant 0 : i32
          %dma_wait3A_336 = tpu.memref_slice %arg5[%sub3A_315, %dma_wait3A_334, %dma_wait3A_335] : memref<2x8x128xi32, #tpu.memory_space<vmem>> -> memref<1x8x128xi32, #tpu.memory_space<vmem>>
          %dma_wait3A_337 = tpu.memref_squeeze %dma_wait3A_336 : memref<1x8x128xi32, #tpu.memory_space<vmem>> -> memref<8x128xi32, #tpu.memory_space<vmem>>
          %dma_wait3A_338 = arith.constant 0 : i32
          %dma_wait3A_339 = tpu.memref_slice %arg3[%add3A_320, %dma_wait3A_338] : memref<25600x128xi32, #tpu.memory_space<hbm>> -> memref<8x128xi32, #tpu.memory_space<hbm>>
          %dma_wait3A_340 = arith.constant 0 : i32
          %dma_wait3A_341 = arith.constant 0 : i32
          %dma_wait3A_342 = tpu.memref_slice %arg5[%sub3A_315, %dma_wait3A_340, %dma_wait3A_341] : memref<2x8x128xi32, #tpu.memory_space<vmem>> -> memref<1x8x128xi32, #tpu.memory_space<vmem>>
          %dma_wait3A_343 = tpu.memref_squeeze %dma_wait3A_342 : memref<1x8x128xi32, #tpu.memory_space<vmem>> -> memref<8x128xi32, #tpu.memory_space<vmem>>
          %dma_wait3A_344 = arith.constant 0 : i32
          %dma_wait3A_345 = tpu.memref_slice %arg3[%add3A_320, %dma_wait3A_344] : memref<25600x128xi32, #tpu.memory_space<hbm>> -> memref<8x128xi32, #tpu.memory_space<hbm>>
          tpu.wait_dma2 semaphore(%run_scoped3A_321 : memref<!tpu.dma_semaphore, #tpu.memory_space<semaphore_mem>>) src(%dma_wait3A_345 : memref<8x128xi32, #tpu.memory_space<hbm>>) dst(%dma_wait3A_343 : memref<8x128xi32, #tpu.memory_space<vmem>>)
          tpu.yield
        }) : () -> ()
      } else {
      }
      %dma_wait3A = arith.constant 0 : i32
      %dma_wait3A_43 = arith.constant 0 : i32
      %dma_wait3A_44 = arith.constant 0 : i32
      %dma_wait3A_45 = arith.constant 0 : i32
      %dma_wait3A_46 = arith.constant 0 : i32
      %dma_wait3A_47 = tpu.memref_slice %arg6[%dma_wait3A_43, %dma_wait3A_44, %dma_wait3A_45, %dma_wait3A_46] : memref<2x2x128x128xf32, #tpu.memory_space<vmem>> -> memref<1x1x128x128xf32, #tpu.memory_space<vmem>>
      %dma_wait3A_48 = tpu.memref_squeeze %dma_wait3A_47 : memref<1x1x128x128xf32, #tpu.memory_space<vmem>> -> memref<128x128xf32, #tpu.memory_space<vmem>>
      %dma_wait3A_49 = arith.constant 0 : i32
      %dma_wait3A_50 = tpu.memref_slice %arg5[%rem3A_38, %dma_wait3A, %dma_wait3A_49] : memref<2x8x128xi32, #tpu.memory_space<vmem>> -> memref<1x1x128xi32, #tpu.memory_space<vmem>>
      %dma_wait3A_51 = tpu.memref_squeeze %dma_wait3A_50 : memref<1x1x128xi32, #tpu.memory_space<vmem>> -> memref<128xi32, #tpu.memory_space<vmem>>
      %dma_wait3A_52 = arith.constant 0 : i32
      %dma_wait3A_53 = arith.constant 0 : i32
      %dma_wait3A_54 = tpu.memref_slice %arg2[%dma_wait3A_52, %dma_wait3A_53] : memref<400003x128xf32, #tpu.memory_space<hbm>> -> memref<400003x128xf32, #tpu.memory_space<hbm>>
      tpu.wait_indirect_dma semaphore(%arg8 : memref<!tpu.dma_semaphore, #tpu.memory_space<semaphore_mem>>) src(%dma_wait3A_54 : memref<400003x128xf32, #tpu.memory_space<hbm>>) dst(%dma_wait3A_48 : memref<128x128xf32, #tpu.memory_space<vmem>>)
      %dma_wait3A_55 = arith.constant 1 : i32
      %dma_wait3A_56 = arith.constant 0 : i32
      %dma_wait3A_57 = arith.constant 1 : i32
      %dma_wait3A_58 = arith.constant 0 : i32
      %dma_wait3A_59 = arith.constant 0 : i32
      %dma_wait3A_60 = tpu.memref_slice %arg6[%dma_wait3A_56, %dma_wait3A_57, %dma_wait3A_58, %dma_wait3A_59] : memref<2x2x128x128xf32, #tpu.memory_space<vmem>> -> memref<1x1x128x128xf32, #tpu.memory_space<vmem>>
      %dma_wait3A_61 = tpu.memref_squeeze %dma_wait3A_60 : memref<1x1x128x128xf32, #tpu.memory_space<vmem>> -> memref<128x128xf32, #tpu.memory_space<vmem>>
      %dma_wait3A_62 = arith.constant 0 : i32
      %dma_wait3A_63 = tpu.memref_slice %arg5[%rem3A_38, %dma_wait3A_55, %dma_wait3A_62] : memref<2x8x128xi32, #tpu.memory_space<vmem>> -> memref<1x1x128xi32, #tpu.memory_space<vmem>>
      %dma_wait3A_64 = tpu.memref_squeeze %dma_wait3A_63 : memref<1x1x128xi32, #tpu.memory_space<vmem>> -> memref<128xi32, #tpu.memory_space<vmem>>
      %dma_wait3A_65 = arith.constant 0 : i32
      %dma_wait3A_66 = arith.constant 0 : i32
      %dma_wait3A_67 = tpu.memref_slice %arg2[%dma_wait3A_65, %dma_wait3A_66] : memref<400003x128xf32, #tpu.memory_space<hbm>> -> memref<400003x128xf32, #tpu.memory_space<hbm>>
      tpu.wait_indirect_dma semaphore(%arg8 : memref<!tpu.dma_semaphore, #tpu.memory_space<semaphore_mem>>) src(%dma_wait3A_67 : memref<400003x128xf32, #tpu.memory_space<hbm>>) dst(%dma_wait3A_61 : memref<128x128xf32, #tpu.memory_space<vmem>>)
      %dma_start3A_68 = arith.constant 2 : i32
      %dma_start3A_69 = arith.constant 1 : i32
      %dma_start3A_70 = arith.constant 0 : i32
      %dma_start3A_71 = arith.constant 0 : i32
      %dma_start3A_72 = arith.constant 0 : i32
      %dma_start3A_73 = tpu.memref_slice %arg6[%dma_start3A_69, %dma_start3A_70, %dma_start3A_71, %dma_start3A_72] : memref<2x2x128x128xf32, #tpu.memory_space<vmem>> -> memref<1x1x128x128xf32, #tpu.memory_space<vmem>>
      %dma_start3A_74 = tpu.memref_squeeze %dma_start3A_73 : memref<1x1x128x128xf32, #tpu.memory_space<vmem>> -> memref<128x128xf32, #tpu.memory_space<vmem>>
      %dma_start3A_75 = arith.constant 0 : i32
      %dma_start3A_76 = tpu.memref_slice %arg5[%rem3A_38, %dma_start3A_68, %dma_start3A_75] : memref<2x8x128xi32, #tpu.memory_space<vmem>> -> memref<1x1x128xi32, #tpu.memory_space<vmem>>
      %dma_start3A_77 = tpu.memref_squeeze %dma_start3A_76 : memref<1x1x128xi32, #tpu.memory_space<vmem>> -> memref<128xi32, #tpu.memory_space<vmem>>
      %dma_start3A_78 = arith.constant 0 : i32
      %dma_start3A_79 = arith.constant 0 : i32
      %dma_start3A_80 = tpu.memref_slice %arg2[%dma_start3A_78, %dma_start3A_79] : memref<400003x128xf32, #tpu.memory_space<hbm>> -> memref<400003x128xf32, #tpu.memory_space<hbm>>
      tpu.enqueue_indirect_dma source(%dma_start3A_80 : memref<400003x128xf32, #tpu.memory_space<hbm>>) target(%dma_start3A_74 : memref<128x128xf32, #tpu.memory_space<vmem>>) offsets(%dma_start3A_77 : memref<128xi32, #tpu.memory_space<vmem>>) semaphore(%arg8 : memref<!tpu.dma_semaphore, #tpu.memory_space<semaphore_mem>>)
      %dma_start3A_81 = arith.constant 3 : i32
      %dma_start3A_82 = arith.constant 1 : i32
      %dma_start3A_83 = arith.constant 1 : i32
      %dma_start3A_84 = arith.constant 0 : i32
      %dma_start3A_85 = arith.constant 0 : i32
      %dma_start3A_86 = tpu.memref_slice %arg6[%dma_start3A_82, %dma_start3A_83, %dma_start3A_84, %dma_start3A_85] : memref<2x2x128x128xf32, #tpu.memory_space<vmem>> -> memref<1x1x128x128xf32, #tpu.memory_space<vmem>>
      %dma_start3A_87 = tpu.memref_squeeze %dma_start3A_86 : memref<1x1x128x128xf32, #tpu.memory_space<vmem>> -> memref<128x128xf32, #tpu.memory_space<vmem>>
      %dma_start3A_88 = arith.constant 0 : i32
      %dma_start3A_89 = tpu.memref_slice %arg5[%rem3A_38, %dma_start3A_81, %dma_start3A_88] : memref<2x8x128xi32, #tpu.memory_space<vmem>> -> memref<1x1x128xi32, #tpu.memory_space<vmem>>
      %dma_start3A_90 = tpu.memref_squeeze %dma_start3A_89 : memref<1x1x128xi32, #tpu.memory_space<vmem>> -> memref<128xi32, #tpu.memory_space<vmem>>
      %dma_start3A_91 = arith.constant 0 : i32
      %dma_start3A_92 = arith.constant 0 : i32
      %dma_start3A_93 = tpu.memref_slice %arg2[%dma_start3A_91, %dma_start3A_92] : memref<400003x128xf32, #tpu.memory_space<hbm>> -> memref<400003x128xf32, #tpu.memory_space<hbm>>
      tpu.enqueue_indirect_dma source(%dma_start3A_93 : memref<400003x128xf32, #tpu.memory_space<hbm>>) target(%dma_start3A_87 : memref<128x128xf32, #tpu.memory_space<vmem>>) offsets(%dma_start3A_90 : memref<128xi32, #tpu.memory_space<vmem>>) semaphore(%arg8 : memref<!tpu.dma_semaphore, #tpu.memory_space<semaphore_mem>>)
      %mul3A_94 = arith.constant 4 : i32
      %mul3A_95 = arith.muli %scan3A_37, %mul3A_94 : i32
      %add3A_96 = arith.constant 0 : i32
      %add3A_97 = arith.addi %mul3A_95, %add3A_96 : i32
      %scan3A_98 = arith.constant 0 : i32
      %scan3A_99 = arith.constant 0 : i32
      %scan3A_100 = arith.constant 128 : i32
      %scan3A_101 = arith.addi %scan3A_99, %scan3A_100 : i32
      %scan3A_102 = arith.constant 1 : i32
      scf.for %scan3A_315 = %scan3A_99 to %scan3A_101 step %scan3A_102  : i32 {
        %add3A_316 = arith.constant 0 : i32
        %add3A_317 = arith.addi %add3A_316, %scan3A_315 : i32
        %get3A = arith.constant 0 : i32
        %get3A_318 = arith.constant 0 : i32
        %get3A_319 = arith.index_cast %get3A : i32 to index
        %get3A_320 = arith.index_cast %get3A_318 : i32 to index
        %get3A_321 = arith.index_cast %scan3A_315 : i32 to index
        %get3A_322 = arith.constant 0 : index
        %get3A_323 = tpu.vector_load %arg6[%get3A_319, %get3A_320, %get3A_321, %get3A_322] {strides = array<i32>} : memref<2x2x128x128xf32, #tpu.memory_space<vmem>>, vector<1x1x1x16xf32>,
        %get3A_324 = vector.shape_cast %get3A_323 : vector<1x1x1x16xf32> to vector<16xf32>
        %swap3A = arith.index_cast %add3A_317 : i32 to index
        %swap3A_325 = arith.constant 0 : index
        %swap3A_326 = tpu.vector_load %arg7[%swap3A, %swap3A_325] {strides = array<i32>} : memref<256x50xf32, #tpu.memory_space<vmem>>, vector<1x16xf32>,
        %swap3A_327 = vector.shape_cast %swap3A_326 : vector<1x16xf32> to vector<16xf32>
        %swap3A_328 = vector.shape_cast %get3A_324 : vector<16xf32> to vector<1x16xf32>
        tpu.vector_store %arg7[%swap3A, %swap3A_325], %swap3A_328 {strides = array<i32>} : memref<256x50xf32, #tpu.memory_space<vmem>>, vector<1x16xf32>,
        %get3A_329 = arith.constant 0 : i32
        %get3A_330 = arith.constant 0 : i32
        %get3A_331 = arith.index_cast %get3A_329 : i32 to index
        %get3A_332 = arith.index_cast %get3A_330 : i32 to index
        %get3A_333 = arith.index_cast %scan3A_315 : i32 to index
        %get3A_334 = arith.constant 16 : index
        %get3A_335 = tpu.vector_load %arg6[%get3A_331, %get3A_332, %get3A_333, %get3A_334] {strides = array<i32>} : memref<2x2x128x128xf32, #tpu.memory_space<vmem>>, vector<1x1x1x16xf32>,
        %get3A_336 = vector.shape_cast %get3A_335 : vector<1x1x1x16xf32> to vector<16xf32>
        %swap3A_337 = arith.index_cast %add3A_317 : i32 to index
        %swap3A_338 = arith.constant 16 : index
        %swap3A_339 = tpu.vector_load %arg7[%swap3A_337, %swap3A_338] {strides = array<i32>} : memref<256x50xf32, #tpu.memory_space<vmem>>, vector<1x16xf32>,
        %swap3A_340 = vector.shape_cast %swap3A_339 : vector<1x16xf32> to vector<16xf32>
        %swap3A_341 = vector.shape_cast %get3A_336 : vector<16xf32> to vector<1x16xf32>
        tpu.vector_store %arg7[%swap3A_337, %swap3A_338], %swap3A_341 {strides = array<i32>} : memref<256x50xf32, #tpu.memory_space<vmem>>, vector<1x16xf32>,
        %get3A_342 = arith.constant 0 : i32
        %get3A_343 = arith.constant 0 : i32
        %get3A_344 = arith.index_cast %get3A_342 : i32 to index
        %get3A_345 = arith.index_cast %get3A_343 : i32 to index
        %get3A_346 = arith.index_cast %scan3A_315 : i32 to index
        %get3A_347 = arith.constant 32 : index
        %get3A_348 = tpu.vector_load %arg6[%get3A_344, %get3A_345, %get3A_346, %get3A_347] {strides = array<i32>} : memref<2x2x128x128xf32, #tpu.memory_space<vmem>>, vector<1x1x1x16xf32>,
        %get3A_349 = vector.shape_cast %get3A_348 : vector<1x1x1x16xf32> to vector<16xf32>
        %swap3A_350 = arith.index_cast %add3A_317 : i32 to index
        %swap3A_351 = arith.constant 32 : index
        %swap3A_352 = tpu.vector_load %arg7[%swap3A_350, %swap3A_351] {strides = array<i32>} : memref<256x50xf32, #tpu.memory_space<vmem>>, vector<1x16xf32>,
        %swap3A_353 = vector.shape_cast %swap3A_352 : vector<1x16xf32> to vector<16xf32>
        %swap3A_354 = vector.shape_cast %get3A_349 : vector<16xf32> to vector<1x16xf32>
        tpu.vector_store %arg7[%swap3A_350, %swap3A_351], %swap3A_354 {strides = array<i32>} : memref<256x50xf32, #tpu.memory_space<vmem>>, vector<1x16xf32>,
        %get3A_355 = arith.constant 0 : i32
        %get3A_356 = arith.constant 0 : i32
        %get3A_357 = arith.index_cast %get3A_355 : i32 to index
        %get3A_358 = arith.index_cast %get3A_356 : i32 to index
        %get3A_359 = arith.index_cast %scan3A_315 : i32 to index
        %get3A_360 = arith.constant 34 : index
        %get3A_361 = tpu.vector_load %arg6[%get3A_357, %get3A_358, %get3A_359, %get3A_360] {strides = array<i32>} : memref<2x2x128x128xf32, #tpu.memory_space<vmem>>, vector<1x1x1x16xf32>,
        %get3A_362 = vector.shape_cast %get3A_361 : vector<1x1x1x16xf32> to vector<16xf32>
        %swap3A_363 = arith.index_cast %add3A_317 : i32 to index
        %swap3A_364 = arith.constant 34 : index
        %swap3A_365 = tpu.vector_load %arg7[%swap3A_363, %swap3A_364] {strides = array<i32>} : memref<256x50xf32, #tpu.memory_space<vmem>>, vector<1x16xf32>,
        %swap3A_366 = vector.shape_cast %swap3A_365 : vector<1x16xf32> to vector<16xf32>
        %swap3A_367 = vector.shape_cast %get3A_362 : vector<16xf32> to vector<1x16xf32>
        tpu.vector_store %arg7[%swap3A_363, %swap3A_364], %swap3A_367 {strides = array<i32>} : memref<256x50xf32, #tpu.memory_space<vmem>>, vector<1x16xf32>,
      }
      %scan3A_103 = arith.constant 128 : i32
      %scan3A_104 = arith.constant 0 : i32
      %scan3A_105 = arith.constant 0 : i32
      %scan3A_106 = arith.constant 128 : i32
      %scan3A_107 = arith.addi %scan3A_105, %scan3A_106 : i32
      %scan3A_108 = arith.constant 1 : i32
      scf.for %scan3A_315 = %scan3A_105 to %scan3A_107 step %scan3A_108  : i32 {
        %add3A_316 = arith.constant 128 : i32
        %add3A_317 = arith.addi %add3A_316, %scan3A_315 : i32
        %get3A = arith.constant 0 : i32
        %get3A_318 = arith.constant 1 : i32
        %get3A_319 = arith.index_cast %get3A : i32 to index
        %get3A_320 = arith.index_cast %get3A_318 : i32 to index
        %get3A_321 = arith.index_cast %scan3A_315 : i32 to index
        %get3A_322 = arith.constant 0 : index
        %get3A_323 = tpu.vector_load %arg6[%get3A_319, %get3A_320, %get3A_321, %get3A_322] {strides = array<i32>} : memref<2x2x128x128xf32, #tpu.memory_space<vmem>>, vector<1x1x1x16xf32>,
        %get3A_324 = vector.shape_cast %get3A_323 : vector<1x1x1x16xf32> to vector<16xf32>
        %swap3A = arith.index_cast %add3A_317 : i32 to index
        %swap3A_325 = arith.constant 0 : index
        %swap3A_326 = tpu.vector_load %arg7[%swap3A, %swap3A_325] {strides = array<i32>} : memref<256x50xf32, #tpu.memory_space<vmem>>, vector<1x16xf32>,
        %swap3A_327 = vector.shape_cast %swap3A_326 : vector<1x16xf32> to vector<16xf32>
        %swap3A_328 = vector.shape_cast %get3A_324 : vector<16xf32> to vector<1x16xf32>
        tpu.vector_store %arg7[%swap3A, %swap3A_325], %swap3A_328 {strides = array<i32>} : memref<256x50xf32, #tpu.memory_space<vmem>>, vector<1x16xf32>,
        %get3A_329 = arith.constant 0 : i32
        %get3A_330 = arith.constant 1 : i32
        %get3A_331 = arith.index_cast %get3A_329 : i32 to index
        %get3A_332 = arith.index_cast %get3A_330 : i32 to index
        %get3A_333 = arith.index_cast %scan3A_315 : i32 to index
        %get3A_334 = arith.constant 16 : index
        %get3A_335 = tpu.vector_load %arg6[%get3A_331, %get3A_332, %get3A_333, %get3A_334] {strides = array<i32>} : memref<2x2x128x128xf32, #tpu.memory_space<vmem>>, vector<1x1x1x16xf32>,
        %get3A_336 = vector.shape_cast %get3A_335 : vector<1x1x1x16xf32> to vector<16xf32>
        %swap3A_337 = arith.index_cast %add3A_317 : i32 to index
        %swap3A_338 = arith.constant 16 : index
        %swap3A_339 = tpu.vector_load %arg7[%swap3A_337, %swap3A_338] {strides = array<i32>} : memref<256x50xf32, #tpu.memory_space<vmem>>, vector<1x16xf32>,
        %swap3A_340 = vector.shape_cast %swap3A_339 : vector<1x16xf32> to vector<16xf32>
        %swap3A_341 = vector.shape_cast %get3A_336 : vector<16xf32> to vector<1x16xf32>
        tpu.vector_store %arg7[%swap3A_337, %swap3A_338], %swap3A_341 {strides = array<i32>} : memref<256x50xf32, #tpu.memory_space<vmem>>, vector<1x16xf32>,
        %get3A_342 = arith.constant 0 : i32
        %get3A_343 = arith.constant 1 : i32
        %get3A_344 = arith.index_cast %get3A_342 : i32 to index
        %get3A_345 = arith.index_cast %get3A_343 : i32 to index
        %get3A_346 = arith.index_cast %scan3A_315 : i32 to index
        %get3A_347 = arith.constant 32 : index
        %get3A_348 = tpu.vector_load %arg6[%get3A_344, %get3A_345, %get3A_346, %get3A_347] {strides = array<i32>} : memref<2x2x128x128xf32, #tpu.memory_space<vmem>>, vector<1x1x1x16xf32>,
        %get3A_349 = vector.shape_cast %get3A_348 : vector<1x1x1x16xf32> to vector<16xf32>
        %swap3A_350 = arith.index_cast %add3A_317 : i32 to index
        %swap3A_351 = arith.constant 32 : index
        %swap3A_352 = tpu.vector_load %arg7[%swap3A_350, %swap3A_351] {strides = array<i32>} : memref<256x50xf32, #tpu.memory_space<vmem>>, vector<1x16xf32>,
        %swap3A_353 = vector.shape_cast %swap3A_352 : vector<1x16xf32> to vector<16xf32>
        %swap3A_354 = vector.shape_cast %get3A_349 : vector<16xf32> to vector<1x16xf32>
        tpu.vector_store %arg7[%swap3A_350, %swap3A_351], %swap3A_354 {strides = array<i32>} : memref<256x50xf32, #tpu.memory_space<vmem>>, vector<1x16xf32>,
        %get3A_355 = arith.constant 0 : i32
        %get3A_356 = arith.constant 1 : i32
        %get3A_357 = arith.index_cast %get3A_355 : i32 to index
        %get3A_358 = arith.index_cast %get3A_356 : i32 to index
        %get3A_359 = arith.index_cast %scan3A_315 : i32 to index
        %get3A_360 = arith.constant 34 : index
        %get3A_361 = tpu.vector_load %arg6[%get3A_357, %get3A_358, %get3A_359, %get3A_360] {strides = array<i32>} : memref<2x2x128x128xf32, #tpu.memory_space<vmem>>, vector<1x1x1x16xf32>,
        %get3A_362 = vector.shape_cast %get3A_361 : vector<1x1x1x16xf32> to vector<16xf32>
        %swap3A_363 = arith.index_cast %add3A_317 : i32 to index
        %swap3A_364 = arith.constant 34 : index
        %swap3A_365 = tpu.vector_load %arg7[%swap3A_363, %swap3A_364] {strides = array<i32>} : memref<256x50xf32, #tpu.memory_space<vmem>>, vector<1x16xf32>,
        %swap3A_366 = vector.shape_cast %swap3A_365 : vector<1x16xf32> to vector<16xf32>
        %swap3A_367 = vector.shape_cast %get3A_362 : vector<16xf32> to vector<1x16xf32>
        tpu.vector_store %arg7[%swap3A_363, %swap3A_364], %swap3A_367 {strides = array<i32>} : memref<256x50xf32, #tpu.memory_space<vmem>>, vector<1x16xf32>,
      }
      %scan3A_109 = arith.constant 128 : i32
      %mul3A_110 = arith.constant 2 : i32
      %mul3A_111 = arith.muli %add3A_97, %mul3A_110 : i32
      %add3A_112 = arith.addi %mul3A_2, %mul3A_111 : i32
      %mul3A_113 = arith.constant 128 : i32
      %mul3A_114 = arith.muli %add3A_112, %mul3A_113 : i32
      "tpu.region"() ({
        %run_scoped3A_315 = tpu.sem_alloc : memref<!tpu.dma_semaphore, #tpu.memory_space<semaphore_mem>>
        %dma_start3A_316 = arith.constant 0 : i32
        %dma_start3A_317 = tpu.memref_slice %arg4[%mul3A_114, %dma_start3A_316] : memref<3276800x50xf32, #tpu.memory_space<hbm>> -> memref<256x50xf32, #tpu.memory_space<hbm>>
        %dma_start3A_318 = arith.constant 0 : i32
        %dma_start3A_319 = tpu.memref_slice %arg4[%mul3A_114, %dma_start3A_318] : memref<3276800x50xf32, #tpu.memory_space<hbm>> -> memref<256x50xf32, #tpu.memory_space<hbm>>
        tpu.enqueue_dma source(%arg7 : memref<256x50xf32, #tpu.memory_space<vmem>>) target(%dma_start3A_319 : memref<256x50xf32, #tpu.memory_space<hbm>>) target_semaphore(%run_scoped3A_315 : memref<!tpu.dma_semaphore, #tpu.memory_space<semaphore_mem>>)
        %dma_wait3A_320 = arith.constant 0 : i32
        %dma_wait3A_321 = tpu.memref_slice %arg4[%mul3A_114, %dma_wait3A_320] : memref<3276800x50xf32, #tpu.memory_space<hbm>> -> memref<256x50xf32, #tpu.memory_space<hbm>>
        %dma_wait3A_322 = arith.constant 0 : i32
        %dma_wait3A_323 = tpu.memref_slice %arg4[%mul3A_114, %dma_wait3A_322] : memref<3276800x50xf32, #tpu.memory_space<hbm>> -> memref<256x50xf32, #tpu.memory_space<hbm>>
        tpu.wait_dma2 semaphore(%run_scoped3A_315 : memref<!tpu.dma_semaphore, #tpu.memory_space<semaphore_mem>>) src(%arg7 : memref<256x50xf32, #tpu.memory_space<vmem>>) dst(%dma_wait3A_323 : memref<256x50xf32, #tpu.memory_space<hbm>>)
        tpu.yield
      }) : () -> ()
      %dma_wait3A_115 = arith.constant 2 : i32
      %dma_wait3A_116 = arith.constant 1 : i32
      %dma_wait3A_117 = arith.constant 0 : i32
      %dma_wait3A_118 = arith.constant 0 : i32
      %dma_wait3A_119 = arith.constant 0 : i32
      %dma_wait3A_120 = tpu.memref_slice %arg6[%dma_wait3A_116, %dma_wait3A_117, %dma_wait3A_118, %dma_wait3A_119] : memref<2x2x128x128xf32, #tpu.memory_space<vmem>> -> memref<1x1x128x128xf32, #tpu.memory_space<vmem>>
      %dma_wait3A_121 = tpu.memref_squeeze %dma_wait3A_120 : memref<1x1x128x128xf32, #tpu.memory_space<vmem>> -> memref<128x128xf32, #tpu.memory_space<vmem>>
      %dma_wait3A_122 = arith.constant 0 : i32
      %dma_wait3A_123 = tpu.memref_slice %arg5[%rem3A_38, %dma_wait3A_115, %dma_wait3A_122] : memref<2x8x128xi32, #tpu.memory_space<vmem>> -> memref<1x1x128xi32, #tpu.memory_space<vmem>>
      %dma_wait3A_124 = tpu.memref_squeeze %dma_wait3A_123 : memref<1x1x128xi32, #tpu.memory_space<vmem>> -> memref<128xi32, #tpu.memory_space<vmem>>
      %dma_wait3A_125 = arith.constant 0 : i32
      %dma_wait3A_126 = arith.constant 0 : i32
      %dma_wait3A_127 = tpu.memref_slice %arg2[%dma_wait3A_125, %dma_wait3A_126] : memref<400003x128xf32, #tpu.memory_space<hbm>> -> memref<400003x128xf32, #tpu.memory_space<hbm>>
      tpu.wait_indirect_dma semaphore(%arg8 : memref<!tpu.dma_semaphore, #tpu.memory_space<semaphore_mem>>) src(%dma_wait3A_127 : memref<400003x128xf32, #tpu.memory_space<hbm>>) dst(%dma_wait3A_121 : memref<128x128xf32, #tpu.memory_space<vmem>>)
      %dma_wait3A_128 = arith.constant 3 : i32
      %dma_wait3A_129 = arith.constant 1 : i32
      %dma_wait3A_130 = arith.constant 1 : i32
      %dma_wait3A_131 = arith.constant 0 : i32
      %dma_wait3A_132 = arith.constant 0 : i32
      %dma_wait3A_133 = tpu.memref_slice %arg6[%dma_wait3A_129, %dma_wait3A_130, %dma_wait3A_131, %dma_wait3A_132] : memref<2x2x128x128xf32, #tpu.memory_space<vmem>> -> memref<1x1x128x128xf32, #tpu.memory_space<vmem>>
      %dma_wait3A_134 = tpu.memref_squeeze %dma_wait3A_133 : memref<1x1x128x128xf32, #tpu.memory_space<vmem>> -> memref<128x128xf32, #tpu.memory_space<vmem>>
      %dma_wait3A_135 = arith.constant 0 : i32
      %dma_wait3A_136 = tpu.memref_slice %arg5[%rem3A_38, %dma_wait3A_128, %dma_wait3A_135] : memref<2x8x128xi32, #tpu.memory_space<vmem>> -> memref<1x1x128xi32, #tpu.memory_space<vmem>>
      %dma_wait3A_137 = tpu.memref_squeeze %dma_wait3A_136 : memref<1x1x128xi32, #tpu.memory_space<vmem>> -> memref<128xi32, #tpu.memory_space<vmem>>
      %dma_wait3A_138 = arith.constant 0 : i32
      %dma_wait3A_139 = arith.constant 0 : i32
      %dma_wait3A_140 = tpu.memref_slice %arg2[%dma_wait3A_138, %dma_wait3A_139] : memref<400003x128xf32, #tpu.memory_space<hbm>> -> memref<400003x128xf32, #tpu.memory_space<hbm>>
      tpu.wait_indirect_dma semaphore(%arg8 : memref<!tpu.dma_semaphore, #tpu.memory_space<semaphore_mem>>) src(%dma_wait3A_140 : memref<400003x128xf32, #tpu.memory_space<hbm>>) dst(%dma_wait3A_134 : memref<128x128xf32, #tpu.memory_space<vmem>>)
      %dma_start3A_141 = arith.constant 4 : i32
      %dma_start3A_142 = arith.constant 0 : i32
      %dma_start3A_143 = arith.constant 0 : i32
      %dma_start3A_144 = arith.constant 0 : i32
      %dma_start3A_145 = arith.constant 0 : i32
      %dma_start3A_146 = tpu.memref_slice %arg6[%dma_start3A_142, %dma_start3A_143, %dma_start3A_144, %dma_start3A_145] : memref<2x2x128x128xf32, #tpu.memory_space<vmem>> -> memref<1x1x128x128xf32, #tpu.memory_space<vmem>>
      %dma_start3A_147 = tpu.memref_squeeze %dma_start3A_146 : memref<1x1x128x128xf32, #tpu.memory_space<vmem>> -> memref<128x128xf32, #tpu.memory_space<vmem>>
      %dma_start3A_148 = arith.constant 0 : i32
      %dma_start3A_149 = tpu.memref_slice %arg5[%rem3A_38, %dma_start3A_141, %dma_start3A_148] : memref<2x8x128xi32, #tpu.memory_space<vmem>> -> memref<1x1x128xi32, #tpu.memory_space<vmem>>
      %dma_start3A_150 = tpu.memref_squeeze %dma_start3A_149 : memref<1x1x128xi32, #tpu.memory_space<vmem>> -> memref<128xi32, #tpu.memory_space<vmem>>
      %dma_start3A_151 = arith.constant 0 : i32
      %dma_start3A_152 = arith.constant 0 : i32
      %dma_start3A_153 = tpu.memref_slice %arg2[%dma_start3A_151, %dma_start3A_152] : memref<400003x128xf32, #tpu.memory_space<hbm>> -> memref<400003x128xf32, #tpu.memory_space<hbm>>
      tpu.enqueue_indirect_dma source(%dma_start3A_153 : memref<400003x128xf32, #tpu.memory_space<hbm>>) target(%dma_start3A_147 : memref<128x128xf32, #tpu.memory_space<vmem>>) offsets(%dma_start3A_150 : memref<128xi32, #tpu.memory_space<vmem>>) semaphore(%arg8 : memref<!tpu.dma_semaphore, #tpu.memory_space<semaphore_mem>>)
      %dma_start3A_154 = arith.constant 5 : i32
      %dma_start3A_155 = arith.constant 0 : i32
      %dma_start3A_156 = arith.constant 1 : i32
      %dma_start3A_157 = arith.constant 0 : i32
      %dma_start3A_158 = arith.constant 0 : i32
      %dma_start3A_159 = tpu.memref_slice %arg6[%dma_start3A_155, %dma_start3A_156, %dma_start3A_157, %dma_start3A_158] : memref<2x2x128x128xf32, #tpu.memory_space<vmem>> -> memref<1x1x128x128xf32, #tpu.memory_space<vmem>>
      %dma_start3A_160 = tpu.memref_squeeze %dma_start3A_159 : memref<1x1x128x128xf32, #tpu.memory_space<vmem>> -> memref<128x128xf32, #tpu.memory_space<vmem>>
      %dma_start3A_161 = arith.constant 0 : i32
      %dma_start3A_162 = tpu.memref_slice %arg5[%rem3A_38, %dma_start3A_154, %dma_start3A_161] : memref<2x8x128xi32, #tpu.memory_space<vmem>> -> memref<1x1x128xi32, #tpu.memory_space<vmem>>
      %dma_start3A_163 = tpu.memref_squeeze %dma_start3A_162 : memref<1x1x128xi32, #tpu.memory_space<vmem>> -> memref<128xi32, #tpu.memory_space<vmem>>
      %dma_start3A_164 = arith.constant 0 : i32
      %dma_start3A_165 = arith.constant 0 : i32
      %dma_start3A_166 = tpu.memref_slice %arg2[%dma_start3A_164, %dma_start3A_165] : memref<400003x128xf32, #tpu.memory_space<hbm>> -> memref<400003x128xf32, #tpu.memory_space<hbm>>
      tpu.enqueue_indirect_dma source(%dma_start3A_166 : memref<400003x128xf32, #tpu.memory_space<hbm>>) target(%dma_start3A_160 : memref<128x128xf32, #tpu.memory_space<vmem>>) offsets(%dma_start3A_163 : memref<128xi32, #tpu.memory_space<vmem>>) semaphore(%arg8 : memref<!tpu.dma_semaphore, #tpu.memory_space<semaphore_mem>>)
      %mul3A_167 = arith.constant 4 : i32
      %mul3A_168 = arith.muli %scan3A_37, %mul3A_167 : i32
      %add3A_169 = arith.constant 1 : i32
      %add3A_170 = arith.addi %mul3A_168, %add3A_169 : i32
      %scan3A_171 = arith.constant 0 : i32
      %scan3A_172 = arith.constant 0 : i32
      %scan3A_173 = arith.constant 128 : i32
      %scan3A_174 = arith.addi %scan3A_172, %scan3A_173 : i32
      %scan3A_175 = arith.constant 1 : i32
      scf.for %scan3A_315 = %scan3A_172 to %scan3A_174 step %scan3A_175  : i32 {
        %add3A_316 = arith.constant 0 : i32
        %add3A_317 = arith.addi %add3A_316, %scan3A_315 : i32
        %get3A = arith.constant 1 : i32
        %get3A_318 = arith.constant 0 : i32
        %get3A_319 = arith.index_cast %get3A : i32 to index
        %get3A_320 = arith.index_cast %get3A_318 : i32 to index
        %get3A_321 = arith.index_cast %scan3A_315 : i32 to index
        %get3A_322 = arith.constant 0 : index
        %get3A_323 = tpu.vector_load %arg6[%get3A_319, %get3A_320, %get3A_321, %get3A_322] {strides = array<i32>} : memref<2x2x128x128xf32, #tpu.memory_space<vmem>>, vector<1x1x1x16xf32>,
        %get3A_324 = vector.shape_cast %get3A_323 : vector<1x1x1x16xf32> to vector<16xf32>
        %swap3A = arith.index_cast %add3A_317 : i32 to index
        %swap3A_325 = arith.constant 0 : index
        %swap3A_326 = tpu.vector_load %arg7[%swap3A, %swap3A_325] {strides = array<i32>} : memref<256x50xf32, #tpu.memory_space<vmem>>, vector<1x16xf32>,
        %swap3A_327 = vector.shape_cast %swap3A_326 : vector<1x16xf32> to vector<16xf32>
        %swap3A_328 = vector.shape_cast %get3A_324 : vector<16xf32> to vector<1x16xf32>
        tpu.vector_store %arg7[%swap3A, %swap3A_325], %swap3A_328 {strides = array<i32>} : memref<256x50xf32, #tpu.memory_space<vmem>>, vector<1x16xf32>,
        %get3A_329 = arith.constant 1 : i32
        %get3A_330 = arith.constant 0 : i32
        %get3A_331 = arith.index_cast %get3A_329 : i32 to index
        %get3A_332 = arith.index_cast %get3A_330 : i32 to index
        %get3A_333 = arith.index_cast %scan3A_315 : i32 to index
        %get3A_334 = arith.constant 16 : index
        %get3A_335 = tpu.vector_load %arg6[%get3A_331, %get3A_332, %get3A_333, %get3A_334] {strides = array<i32>} : memref<2x2x128x128xf32, #tpu.memory_space<vmem>>, vector<1x1x1x16xf32>,
        %get3A_336 = vector.shape_cast %get3A_335 : vector<1x1x1x16xf32> to vector<16xf32>
        %swap3A_337 = arith.index_cast %add3A_317 : i32 to index
        %swap3A_338 = arith.constant 16 : index
        %swap3A_339 = tpu.vector_load %arg7[%swap3A_337, %swap3A_338] {strides = array<i32>} : memref<256x50xf32, #tpu.memory_space<vmem>>, vector<1x16xf32>,
        %swap3A_340 = vector.shape_cast %swap3A_339 : vector<1x16xf32> to vector<16xf32>
        %swap3A_341 = vector.shape_cast %get3A_336 : vector<16xf32> to vector<1x16xf32>
        tpu.vector_store %arg7[%swap3A_337, %swap3A_338], %swap3A_341 {strides = array<i32>} : memref<256x50xf32, #tpu.memory_space<vmem>>, vector<1x16xf32>,
        %get3A_342 = arith.constant 1 : i32
        %get3A_343 = arith.constant 0 : i32
        %get3A_344 = arith.index_cast %get3A_342 : i32 to index
        %get3A_345 = arith.index_cast %get3A_343 : i32 to index
        %get3A_346 = arith.index_cast %scan3A_315 : i32 to index
        %get3A_347 = arith.constant 32 : index
        %get3A_348 = tpu.vector_load %arg6[%get3A_344, %get3A_345, %get3A_346, %get3A_347] {strides = array<i32>} : memref<2x2x128x128xf32, #tpu.memory_space<vmem>>, vector<1x1x1x16xf32>,
        %get3A_349 = vector.shape_cast %get3A_348 : vector<1x1x1x16xf32> to vector<16xf32>
        %swap3A_350 = arith.index_cast %add3A_317 : i32 to index
        %swap3A_351 = arith.constant 32 : index
        %swap3A_352 = tpu.vector_load %arg7[%swap3A_350, %swap3A_351] {strides = array<i32>} : memref<256x50xf32, #tpu.memory_space<vmem>>, vector<1x16xf32>,
        %swap3A_353 = vector.shape_cast %swap3A_352 : vector<1x16xf32> to vector<16xf32>
        %swap3A_354 = vector.shape_cast %get3A_349 : vector<16xf32> to vector<1x16xf32>
        tpu.vector_store %arg7[%swap3A_350, %swap3A_351], %swap3A_354 {strides = array<i32>} : memref<256x50xf32, #tpu.memory_space<vmem>>, vector<1x16xf32>,
        %get3A_355 = arith.constant 1 : i32
        %get3A_356 = arith.constant 0 : i32
        %get3A_357 = arith.index_cast %get3A_355 : i32 to index
        %get3A_358 = arith.index_cast %get3A_356 : i32 to index
        %get3A_359 = arith.index_cast %scan3A_315 : i32 to index
        %get3A_360 = arith.constant 34 : index
        %get3A_361 = tpu.vector_load %arg6[%get3A_357, %get3A_358, %get3A_359, %get3A_360] {strides = array<i32>} : memref<2x2x128x128xf32, #tpu.memory_space<vmem>>, vector<1x1x1x16xf32>,
        %get3A_362 = vector.shape_cast %get3A_361 : vector<1x1x1x16xf32> to vector<16xf32>
        %swap3A_363 = arith.index_cast %add3A_317 : i32 to index
        %swap3A_364 = arith.constant 34 : index
        %swap3A_365 = tpu.vector_load %arg7[%swap3A_363, %swap3A_364] {strides = array<i32>} : memref<256x50xf32, #tpu.memory_space<vmem>>, vector<1x16xf32>,
        %swap3A_366 = vector.shape_cast %swap3A_365 : vector<1x16xf32> to vector<16xf32>
        %swap3A_367 = vector.shape_cast %get3A_362 : vector<16xf32> to vector<1x16xf32>
        tpu.vector_store %arg7[%swap3A_363, %swap3A_364], %swap3A_367 {strides = array<i32>} : memref<256x50xf32, #tpu.memory_space<vmem>>, vector<1x16xf32>,
      }
      %scan3A_176 = arith.constant 128 : i32
      %scan3A_177 = arith.constant 0 : i32
      %scan3A_178 = arith.constant 0 : i32
      %scan3A_179 = arith.constant 128 : i32
      %scan3A_180 = arith.addi %scan3A_178, %scan3A_179 : i32
      %scan3A_181 = arith.constant 1 : i32
      scf.for %scan3A_315 = %scan3A_178 to %scan3A_180 step %scan3A_181  : i32 {
        %add3A_316 = arith.constant 128 : i32
        %add3A_317 = arith.addi %add3A_316, %scan3A_315 : i32
        %get3A = arith.constant 1 : i32
        %get3A_318 = arith.constant 1 : i32
        %get3A_319 = arith.index_cast %get3A : i32 to index
        %get3A_320 = arith.index_cast %get3A_318 : i32 to index
        %get3A_321 = arith.index_cast %scan3A_315 : i32 to index
        %get3A_322 = arith.constant 0 : index
        %get3A_323 = tpu.vector_load %arg6[%get3A_319, %get3A_320, %get3A_321, %get3A_322] {strides = array<i32>} : memref<2x2x128x128xf32, #tpu.memory_space<vmem>>, vector<1x1x1x16xf32>,
        %get3A_324 = vector.shape_cast %get3A_323 : vector<1x1x1x16xf32> to vector<16xf32>
        %swap3A = arith.index_cast %add3A_317 : i32 to index
        %swap3A_325 = arith.constant 0 : index
        %swap3A_326 = tpu.vector_load %arg7[%swap3A, %swap3A_325] {strides = array<i32>} : memref<256x50xf32, #tpu.memory_space<vmem>>, vector<1x16xf32>,
        %swap3A_327 = vector.shape_cast %swap3A_326 : vector<1x16xf32> to vector<16xf32>
        %swap3A_328 = vector.shape_cast %get3A_324 : vector<16xf32> to vector<1x16xf32>
        tpu.vector_store %arg7[%swap3A, %swap3A_325], %swap3A_328 {strides = array<i32>} : memref<256x50xf32, #tpu.memory_space<vmem>>, vector<1x16xf32>,
        %get3A_329 = arith.constant 1 : i32
        %get3A_330 = arith.constant 1 : i32
        %get3A_331 = arith.index_cast %get3A_329 : i32 to index
        %get3A_332 = arith.index_cast %get3A_330 : i32 to index
        %get3A_333 = arith.index_cast %scan3A_315 : i32 to index
        %get3A_334 = arith.constant 16 : index
        %get3A_335 = tpu.vector_load %arg6[%get3A_331, %get3A_332, %get3A_333, %get3A_334] {strides = array<i32>} : memref<2x2x128x128xf32, #tpu.memory_space<vmem>>, vector<1x1x1x16xf32>,
        %get3A_336 = vector.shape_cast %get3A_335 : vector<1x1x1x16xf32> to vector<16xf32>
        %swap3A_337 = arith.index_cast %add3A_317 : i32 to index
        %swap3A_338 = arith.constant 16 : index
        %swap3A_339 = tpu.vector_load %arg7[%swap3A_337, %swap3A_338] {strides = array<i32>} : memref<256x50xf32, #tpu.memory_space<vmem>>, vector<1x16xf32>,
        %swap3A_340 = vector.shape_cast %swap3A_339 : vector<1x16xf32> to vector<16xf32>
        %swap3A_341 = vector.shape_cast %get3A_336 : vector<16xf32> to vector<1x16xf32>
        tpu.vector_store %arg7[%swap3A_337, %swap3A_338], %swap3A_341 {strides = array<i32>} : memref<256x50xf32, #tpu.memory_space<vmem>>, vector<1x16xf32>,
        %get3A_342 = arith.constant 1 : i32
        %get3A_343 = arith.constant 1 : i32
        %get3A_344 = arith.index_cast %get3A_342 : i32 to index
        %get3A_345 = arith.index_cast %get3A_343 : i32 to index
        %get3A_346 = arith.index_cast %scan3A_315 : i32 to index
        %get3A_347 = arith.constant 32 : index
        %get3A_348 = tpu.vector_load %arg6[%get3A_344, %get3A_345, %get3A_346, %get3A_347] {strides = array<i32>} : memref<2x2x128x128xf32, #tpu.memory_space<vmem>>, vector<1x1x1x16xf32>,
        %get3A_349 = vector.shape_cast %get3A_348 : vector<1x1x1x16xf32> to vector<16xf32>
        %swap3A_350 = arith.index_cast %add3A_317 : i32 to index
        %swap3A_351 = arith.constant 32 : index
        %swap3A_352 = tpu.vector_load %arg7[%swap3A_350, %swap3A_351] {strides = array<i32>} : memref<256x50xf32, #tpu.memory_space<vmem>>, vector<1x16xf32>,
        %swap3A_353 = vector.shape_cast %swap3A_352 : vector<1x16xf32> to vector<16xf32>
        %swap3A_354 = vector.shape_cast %get3A_349 : vector<16xf32> to vector<1x16xf32>
        tpu.vector_store %arg7[%swap3A_350, %swap3A_351], %swap3A_354 {strides = array<i32>} : memref<256x50xf32, #tpu.memory_space<vmem>>, vector<1x16xf32>,
        %get3A_355 = arith.constant 1 : i32
        %get3A_356 = arith.constant 1 : i32
        %get3A_357 = arith.index_cast %get3A_355 : i32 to index
        %get3A_358 = arith.index_cast %get3A_356 : i32 to index
        %get3A_359 = arith.index_cast %scan3A_315 : i32 to index
        %get3A_360 = arith.constant 34 : index
        %get3A_361 = tpu.vector_load %arg6[%get3A_357, %get3A_358, %get3A_359, %get3A_360] {strides = array<i32>} : memref<2x2x128x128xf32, #tpu.memory_space<vmem>>, vector<1x1x1x16xf32>,
        %get3A_362 = vector.shape_cast %get3A_361 : vector<1x1x1x16xf32> to vector<16xf32>
        %swap3A_363 = arith.index_cast %add3A_317 : i32 to index
        %swap3A_364 = arith.constant 34 : index
        %swap3A_365 = tpu.vector_load %arg7[%swap3A_363, %swap3A_364] {strides = array<i32>} : memref<256x50xf32, #tpu.memory_space<vmem>>, vector<1x16xf32>,
        %swap3A_366 = vector.shape_cast %swap3A_365 : vector<1x16xf32> to vector<16xf32>
        %swap3A_367 = vector.shape_cast %get3A_362 : vector<16xf32> to vector<1x16xf32>
        tpu.vector_store %arg7[%swap3A_363, %swap3A_364], %swap3A_367 {strides = array<i32>} : memref<256x50xf32, #tpu.memory_space<vmem>>, vector<1x16xf32>,
      }
      %scan3A_182 = arith.constant 128 : i32
      %mul3A_183 = arith.constant 2 : i32
      %mul3A_184 = arith.muli %add3A_170, %mul3A_183 : i32
      %add3A_185 = arith.addi %mul3A_2, %mul3A_184 : i32
      %mul3A_186 = arith.constant 128 : i32
      %mul3A_187 = arith.muli %add3A_185, %mul3A_186 : i32
      "tpu.region"() ({
        %run_scoped3A_315 = tpu.sem_alloc : memref<!tpu.dma_semaphore, #tpu.memory_space<semaphore_mem>>
        %dma_start3A_316 = arith.constant 0 : i32
        %dma_start3A_317 = tpu.memref_slice %arg4[%mul3A_187, %dma_start3A_316] : memref<3276800x50xf32, #tpu.memory_space<hbm>> -> memref<256x50xf32, #tpu.memory_space<hbm>>
        %dma_start3A_318 = arith.constant 0 : i32
        %dma_start3A_319 = tpu.memref_slice %arg4[%mul3A_187, %dma_start3A_318] : memref<3276800x50xf32, #tpu.memory_space<hbm>> -> memref<256x50xf32, #tpu.memory_space<hbm>>
        tpu.enqueue_dma source(%arg7 : memref<256x50xf32, #tpu.memory_space<vmem>>) target(%dma_start3A_319 : memref<256x50xf32, #tpu.memory_space<hbm>>) target_semaphore(%run_scoped3A_315 : memref<!tpu.dma_semaphore, #tpu.memory_space<semaphore_mem>>)
        %dma_wait3A_320 = arith.constant 0 : i32
        %dma_wait3A_321 = tpu.memref_slice %arg4[%mul3A_187, %dma_wait3A_320] : memref<3276800x50xf32, #tpu.memory_space<hbm>> -> memref<256x50xf32, #tpu.memory_space<hbm>>
        %dma_wait3A_322 = arith.constant 0 : i32
        %dma_wait3A_323 = tpu.memref_slice %arg4[%mul3A_187, %dma_wait3A_322] : memref<3276800x50xf32, #tpu.memory_space<hbm>> -> memref<256x50xf32, #tpu.memory_space<hbm>>
        tpu.wait_dma2 semaphore(%run_scoped3A_315 : memref<!tpu.dma_semaphore, #tpu.memory_space<semaphore_mem>>) src(%arg7 : memref<256x50xf32, #tpu.memory_space<vmem>>) dst(%dma_wait3A_323 : memref<256x50xf32, #tpu.memory_space<hbm>>)
        tpu.yield
      }) : () -> ()
      %dma_wait3A_188 = arith.constant 4 : i32
      %dma_wait3A_189 = arith.constant 0 : i32
      %dma_wait3A_190 = arith.constant 0 : i32
      %dma_wait3A_191 = arith.constant 0 : i32
      %dma_wait3A_192 = arith.constant 0 : i32
      %dma_wait3A_193 = tpu.memref_slice %arg6[%dma_wait3A_189, %dma_wait3A_190, %dma_wait3A_191, %dma_wait3A_192] : memref<2x2x128x128xf32, #tpu.memory_space<vmem>> -> memref<1x1x128x128xf32, #tpu.memory_space<vmem>>
      %dma_wait3A_194 = tpu.memref_squeeze %dma_wait3A_193 : memref<1x1x128x128xf32, #tpu.memory_space<vmem>> -> memref<128x128xf32, #tpu.memory_space<vmem>>
      %dma_wait3A_195 = arith.constant 0 : i32
      %dma_wait3A_196 = tpu.memref_slice %arg5[%rem3A_38, %dma_wait3A_188, %dma_wait3A_195] : memref<2x8x128xi32, #tpu.memory_space<vmem>> -> memref<1x1x128xi32, #tpu.memory_space<vmem>>
      %dma_wait3A_197 = tpu.memref_squeeze %dma_wait3A_196 : memref<1x1x128xi32, #tpu.memory_space<vmem>> -> memref<128xi32, #tpu.memory_space<vmem>>
      %dma_wait3A_198 = arith.constant 0 : i32
      %dma_wait3A_199 = arith.constant 0 : i32
      %dma_wait3A_200 = tpu.memref_slice %arg2[%dma_wait3A_198, %dma_wait3A_199] : memref<400003x128xf32, #tpu.memory_space<hbm>> -> memref<400003x128xf32, #tpu.memory_space<hbm>>
      tpu.wait_indirect_dma semaphore(%arg8 : memref<!tpu.dma_semaphore, #tpu.memory_space<semaphore_mem>>) src(%dma_wait3A_200 : memref<400003x128xf32, #tpu.memory_space<hbm>>) dst(%dma_wait3A_194 : memref<128x128xf32, #tpu.memory_space<vmem>>)
      %dma_wait3A_201 = arith.constant 5 : i32
      %dma_wait3A_202 = arith.constant 0 : i32
      %dma_wait3A_203 = arith.constant 1 : i32
      %dma_wait3A_204 = arith.constant 0 : i32
      %dma_wait3A_205 = arith.constant 0 : i32
      %dma_wait3A_206 = tpu.memref_slice %arg6[%dma_wait3A_202, %dma_wait3A_203, %dma_wait3A_204, %dma_wait3A_205] : memref<2x2x128x128xf32, #tpu.memory_space<vmem>> -> memref<1x1x128x128xf32, #tpu.memory_space<vmem>>
      %dma_wait3A_207 = tpu.memref_squeeze %dma_wait3A_206 : memref<1x1x128x128xf32, #tpu.memory_space<vmem>> -> memref<128x128xf32, #tpu.memory_space<vmem>>
      %dma_wait3A_208 = arith.constant 0 : i32
      %dma_wait3A_209 = tpu.memref_slice %arg5[%rem3A_38, %dma_wait3A_201, %dma_wait3A_208] : memref<2x8x128xi32, #tpu.memory_space<vmem>> -> memref<1x1x128xi32, #tpu.memory_space<vmem>>
      %dma_wait3A_210 = tpu.memref_squeeze %dma_wait3A_209 : memref<1x1x128xi32, #tpu.memory_space<vmem>> -> memref<128xi32, #tpu.memory_space<vmem>>
      %dma_wait3A_211 = arith.constant 0 : i32
      %dma_wait3A_212 = arith.constant 0 : i32
      %dma_wait3A_213 = tpu.memref_slice %arg2[%dma_wait3A_211, %dma_wait3A_212] : memref<400003x128xf32, #tpu.memory_space<hbm>> -> memref<400003x128xf32, #tpu.memory_space<hbm>>
      tpu.wait_indirect_dma semaphore(%arg8 : memref<!tpu.dma_semaphore, #tpu.memory_space<semaphore_mem>>) src(%dma_wait3A_213 : memref<400003x128xf32, #tpu.memory_space<hbm>>) dst(%dma_wait3A_207 : memref<128x128xf32, #tpu.memory_space<vmem>>)
      %dma_start3A_214 = arith.constant 6 : i32
      %dma_start3A_215 = arith.constant 1 : i32
      %dma_start3A_216 = arith.constant 0 : i32
      %dma_start3A_217 = arith.constant 0 : i32
      %dma_start3A_218 = arith.constant 0 : i32
      %dma_start3A_219 = tpu.memref_slice %arg6[%dma_start3A_215, %dma_start3A_216, %dma_start3A_217, %dma_start3A_218] : memref<2x2x128x128xf32, #tpu.memory_space<vmem>> -> memref<1x1x128x128xf32, #tpu.memory_space<vmem>>
      %dma_start3A_220 = tpu.memref_squeeze %dma_start3A_219 : memref<1x1x128x128xf32, #tpu.memory_space<vmem>> -> memref<128x128xf32, #tpu.memory_space<vmem>>
      %dma_start3A_221 = arith.constant 0 : i32
      %dma_start3A_222 = tpu.memref_slice %arg5[%rem3A_38, %dma_start3A_214, %dma_start3A_221] : memref<2x8x128xi32, #tpu.memory_space<vmem>> -> memref<1x1x128xi32, #tpu.memory_space<vmem>>
      %dma_start3A_223 = tpu.memref_squeeze %dma_start3A_222 : memref<1x1x128xi32, #tpu.memory_space<vmem>> -> memref<128xi32, #tpu.memory_space<vmem>>
      %dma_start3A_224 = arith.constant 0 : i32
      %dma_start3A_225 = arith.constant 0 : i32
      %dma_start3A_226 = tpu.memref_slice %arg2[%dma_start3A_224, %dma_start3A_225] : memref<400003x128xf32, #tpu.memory_space<hbm>> -> memref<400003x128xf32, #tpu.memory_space<hbm>>
      tpu.enqueue_indirect_dma source(%dma_start3A_226 : memref<400003x128xf32, #tpu.memory_space<hbm>>) target(%dma_start3A_220 : memref<128x128xf32, #tpu.memory_space<vmem>>) offsets(%dma_start3A_223 : memref<128xi32, #tpu.memory_space<vmem>>) semaphore(%arg8 : memref<!tpu.dma_semaphore, #tpu.memory_space<semaphore_mem>>)
      %dma_start3A_227 = arith.constant 7 : i32
      %dma_start3A_228 = arith.constant 1 : i32
      %dma_start3A_229 = arith.constant 1 : i32
      %dma_start3A_230 = arith.constant 0 : i32
      %dma_start3A_231 = arith.constant 0 : i32
      %dma_start3A_232 = tpu.memref_slice %arg6[%dma_start3A_228, %dma_start3A_229, %dma_start3A_230, %dma_start3A_231] : memref<2x2x128x128xf32, #tpu.memory_space<vmem>> -> memref<1x1x128x128xf32, #tpu.memory_space<vmem>>
      %dma_start3A_233 = tpu.memref_squeeze %dma_start3A_232 : memref<1x1x128x128xf32, #tpu.memory_space<vmem>> -> memref<128x128xf32, #tpu.memory_space<vmem>>
      %dma_start3A_234 = arith.constant 0 : i32
      %dma_start3A_235 = tpu.memref_slice %arg5[%rem3A_38, %dma_start3A_227, %dma_start3A_234] : memref<2x8x128xi32, #tpu.memory_space<vmem>> -> memref<1x1x128xi32, #tpu.memory_space<vmem>>
      %dma_start3A_236 = tpu.memref_squeeze %dma_start3A_235 : memref<1x1x128xi32, #tpu.memory_space<vmem>> -> memref<128xi32, #tpu.memory_space<vmem>>
      %dma_start3A_237 = arith.constant 0 : i32
      %dma_start3A_238 = arith.constant 0 : i32
      %dma_start3A_239 = tpu.memref_slice %arg2[%dma_start3A_237, %dma_start3A_238] : memref<400003x128xf32, #tpu.memory_space<hbm>> -> memref<400003x128xf32, #tpu.memory_space<hbm>>
      tpu.enqueue_indirect_dma source(%dma_start3A_239 : memref<400003x128xf32, #tpu.memory_space<hbm>>) target(%dma_start3A_233 : memref<128x128xf32, #tpu.memory_space<vmem>>) offsets(%dma_start3A_236 : memref<128xi32, #tpu.memory_space<vmem>>) semaphore(%arg8 : memref<!tpu.dma_semaphore, #tpu.memory_space<semaphore_mem>>)
      %mul3A_240 = arith.constant 4 : i32
      %mul3A_241 = arith.muli %scan3A_37, %mul3A_240 : i32
      %add3A_242 = arith.constant 2 : i32
      %add3A_243 = arith.addi %mul3A_241, %add3A_242 : i32
      %scan3A_244 = arith.constant 0 : i32
      %scan3A_245 = arith.constant 0 : i32
      %scan3A_246 = arith.constant 128 : i32
      %scan3A_247 = arith.addi %scan3A_245, %scan3A_246 : i32
      %scan3A_248 = arith.constant 1 : i32
      scf.for %scan3A_315 = %scan3A_245 to %scan3A_247 step %scan3A_248  : i32 {
        %add3A_316 = arith.constant 0 : i32
        %add3A_317 = arith.addi %add3A_316, %scan3A_315 : i32
        %get3A = arith.constant 0 : i32
        %get3A_318 = arith.constant 0 : i32
        %get3A_319 = arith.index_cast %get3A : i32 to index
        %get3A_320 = arith.index_cast %get3A_318 : i32 to index
        %get3A_321 = arith.index_cast %scan3A_315 : i32 to index
        %get3A_322 = arith.constant 0 : index
        %get3A_323 = tpu.vector_load %arg6[%get3A_319, %get3A_320, %get3A_321, %get3A_322] {strides = array<i32>} : memref<2x2x128x128xf32, #tpu.memory_space<vmem>>, vector<1x1x1x16xf32>,
        %get3A_324 = vector.shape_cast %get3A_323 : vector<1x1x1x16xf32> to vector<16xf32>
        %swap3A = arith.index_cast %add3A_317 : i32 to index
        %swap3A_325 = arith.constant 0 : index
        %swap3A_326 = tpu.vector_load %arg7[%swap3A, %swap3A_325] {strides = array<i32>} : memref<256x50xf32, #tpu.memory_space<vmem>>, vector<1x16xf32>,
        %swap3A_327 = vector.shape_cast %swap3A_326 : vector<1x16xf32> to vector<16xf32>
        %swap3A_328 = vector.shape_cast %get3A_324 : vector<16xf32> to vector<1x16xf32>
        tpu.vector_store %arg7[%swap3A, %swap3A_325], %swap3A_328 {strides = array<i32>} : memref<256x50xf32, #tpu.memory_space<vmem>>, vector<1x16xf32>,
        %get3A_329 = arith.constant 0 : i32
        %get3A_330 = arith.constant 0 : i32
        %get3A_331 = arith.index_cast %get3A_329 : i32 to index
        %get3A_332 = arith.index_cast %get3A_330 : i32 to index
        %get3A_333 = arith.index_cast %scan3A_315 : i32 to index
        %get3A_334 = arith.constant 16 : index
        %get3A_335 = tpu.vector_load %arg6[%get3A_331, %get3A_332, %get3A_333, %get3A_334] {strides = array<i32>} : memref<2x2x128x128xf32, #tpu.memory_space<vmem>>, vector<1x1x1x16xf32>,
        %get3A_336 = vector.shape_cast %get3A_335 : vector<1x1x1x16xf32> to vector<16xf32>
        %swap3A_337 = arith.index_cast %add3A_317 : i32 to index
        %swap3A_338 = arith.constant 16 : index
        %swap3A_339 = tpu.vector_load %arg7[%swap3A_337, %swap3A_338] {strides = array<i32>} : memref<256x50xf32, #tpu.memory_space<vmem>>, vector<1x16xf32>,
        %swap3A_340 = vector.shape_cast %swap3A_339 : vector<1x16xf32> to vector<16xf32>
        %swap3A_341 = vector.shape_cast %get3A_336 : vector<16xf32> to vector<1x16xf32>
        tpu.vector_store %arg7[%swap3A_337, %swap3A_338], %swap3A_341 {strides = array<i32>} : memref<256x50xf32, #tpu.memory_space<vmem>>, vector<1x16xf32>,
        %get3A_342 = arith.constant 0 : i32
        %get3A_343 = arith.constant 0 : i32
        %get3A_344 = arith.index_cast %get3A_342 : i32 to index
        %get3A_345 = arith.index_cast %get3A_343 : i32 to index
        %get3A_346 = arith.index_cast %scan3A_315 : i32 to index
        %get3A_347 = arith.constant 32 : index
        %get3A_348 = tpu.vector_load %arg6[%get3A_344, %get3A_345, %get3A_346, %get3A_347] {strides = array<i32>} : memref<2x2x128x128xf32, #tpu.memory_space<vmem>>, vector<1x1x1x16xf32>,
        %get3A_349 = vector.shape_cast %get3A_348 : vector<1x1x1x16xf32> to vector<16xf32>
        %swap3A_350 = arith.index_cast %add3A_317 : i32 to index
        %swap3A_351 = arith.constant 32 : index
        %swap3A_352 = tpu.vector_load %arg7[%swap3A_350, %swap3A_351] {strides = array<i32>} : memref<256x50xf32, #tpu.memory_space<vmem>>, vector<1x16xf32>,
        %swap3A_353 = vector.shape_cast %swap3A_352 : vector<1x16xf32> to vector<16xf32>
        %swap3A_354 = vector.shape_cast %get3A_349 : vector<16xf32> to vector<1x16xf32>
        tpu.vector_store %arg7[%swap3A_350, %swap3A_351], %swap3A_354 {strides = array<i32>} : memref<256x50xf32, #tpu.memory_space<vmem>>, vector<1x16xf32>,
        %get3A_355 = arith.constant 0 : i32
        %get3A_356 = arith.constant 0 : i32
        %get3A_357 = arith.index_cast %get3A_355 : i32 to index
        %get3A_358 = arith.index_cast %get3A_356 : i32 to index
        %get3A_359 = arith.index_cast %scan3A_315 : i32 to index
        %get3A_360 = arith.constant 34 : index
        %get3A_361 = tpu.vector_load %arg6[%get3A_357, %get3A_358, %get3A_359, %get3A_360] {strides = array<i32>} : memref<2x2x128x128xf32, #tpu.memory_space<vmem>>, vector<1x1x1x16xf32>,
        %get3A_362 = vector.shape_cast %get3A_361 : vector<1x1x1x16xf32> to vector<16xf32>
        %swap3A_363 = arith.index_cast %add3A_317 : i32 to index
        %swap3A_364 = arith.constant 34 : index
        %swap3A_365 = tpu.vector_load %arg7[%swap3A_363, %swap3A_364] {strides = array<i32>} : memref<256x50xf32, #tpu.memory_space<vmem>>, vector<1x16xf32>,
        %swap3A_366 = vector.shape_cast %swap3A_365 : vector<1x16xf32> to vector<16xf32>
        %swap3A_367 = vector.shape_cast %get3A_362 : vector<16xf32> to vector<1x16xf32>
        tpu.vector_store %arg7[%swap3A_363, %swap3A_364], %swap3A_367 {strides = array<i32>} : memref<256x50xf32, #tpu.memory_space<vmem>>, vector<1x16xf32>,
      }
      %scan3A_249 = arith.constant 128 : i32
      %scan3A_250 = arith.constant 0 : i32
      %scan3A_251 = arith.constant 0 : i32
      %scan3A_252 = arith.constant 128 : i32
      %scan3A_253 = arith.addi %scan3A_251, %scan3A_252 : i32
      %scan3A_254 = arith.constant 1 : i32
      scf.for %scan3A_315 = %scan3A_251 to %scan3A_253 step %scan3A_254  : i32 {
        %add3A_316 = arith.constant 128 : i32
        %add3A_317 = arith.addi %add3A_316, %scan3A_315 : i32
        %get3A = arith.constant 0 : i32
        %get3A_318 = arith.constant 1 : i32
        %get3A_319 = arith.index_cast %get3A : i32 to index
        %get3A_320 = arith.index_cast %get3A_318 : i32 to index
        %get3A_321 = arith.index_cast %scan3A_315 : i32 to index
        %get3A_322 = arith.constant 0 : index
        %get3A_323 = tpu.vector_load %arg6[%get3A_319, %get3A_320, %get3A_321, %get3A_322] {strides = array<i32>} : memref<2x2x128x128xf32, #tpu.memory_space<vmem>>, vector<1x1x1x16xf32>,
        %get3A_324 = vector.shape_cast %get3A_323 : vector<1x1x1x16xf32> to vector<16xf32>
        %swap3A = arith.index_cast %add3A_317 : i32 to index
        %swap3A_325 = arith.constant 0 : index
        %swap3A_326 = tpu.vector_load %arg7[%swap3A, %swap3A_325] {strides = array<i32>} : memref<256x50xf32, #tpu.memory_space<vmem>>, vector<1x16xf32>,
        %swap3A_327 = vector.shape_cast %swap3A_326 : vector<1x16xf32> to vector<16xf32>
        %swap3A_328 = vector.shape_cast %get3A_324 : vector<16xf32> to vector<1x16xf32>
        tpu.vector_store %arg7[%swap3A, %swap3A_325], %swap3A_328 {strides = array<i32>} : memref<256x50xf32, #tpu.memory_space<vmem>>, vector<1x16xf32>,
        %get3A_329 = arith.constant 0 : i32
        %get3A_330 = arith.constant 1 : i32
        %get3A_331 = arith.index_cast %get3A_329 : i32 to index
        %get3A_332 = arith.index_cast %get3A_330 : i32 to index
        %get3A_333 = arith.index_cast %scan3A_315 : i32 to index
        %get3A_334 = arith.constant 16 : index
        %get3A_335 = tpu.vector_load %arg6[%get3A_331, %get3A_332, %get3A_333, %get3A_334] {strides = array<i32>} : memref<2x2x128x128xf32, #tpu.memory_space<vmem>>, vector<1x1x1x16xf32>,
        %get3A_336 = vector.shape_cast %get3A_335 : vector<1x1x1x16xf32> to vector<16xf32>
        %swap3A_337 = arith.index_cast %add3A_317 : i32 to index
        %swap3A_338 = arith.constant 16 : index
        %swap3A_339 = tpu.vector_load %arg7[%swap3A_337, %swap3A_338] {strides = array<i32>} : memref<256x50xf32, #tpu.memory_space<vmem>>, vector<1x16xf32>,
        %swap3A_340 = vector.shape_cast %swap3A_339 : vector<1x16xf32> to vector<16xf32>
        %swap3A_341 = vector.shape_cast %get3A_336 : vector<16xf32> to vector<1x16xf32>
        tpu.vector_store %arg7[%swap3A_337, %swap3A_338], %swap3A_341 {strides = array<i32>} : memref<256x50xf32, #tpu.memory_space<vmem>>, vector<1x16xf32>,
        %get3A_342 = arith.constant 0 : i32
        %get3A_343 = arith.constant 1 : i32
        %get3A_344 = arith.index_cast %get3A_342 : i32 to index
        %get3A_345 = arith.index_cast %get3A_343 : i32 to index
        %get3A_346 = arith.index_cast %scan3A_315 : i32 to index
        %get3A_347 = arith.constant 32 : index
        %get3A_348 = tpu.vector_load %arg6[%get3A_344, %get3A_345, %get3A_346, %get3A_347] {strides = array<i32>} : memref<2x2x128x128xf32, #tpu.memory_space<vmem>>, vector<1x1x1x16xf32>,
        %get3A_349 = vector.shape_cast %get3A_348 : vector<1x1x1x16xf32> to vector<16xf32>
        %swap3A_350 = arith.index_cast %add3A_317 : i32 to index
        %swap3A_351 = arith.constant 32 : index
        %swap3A_352 = tpu.vector_load %arg7[%swap3A_350, %swap3A_351] {strides = array<i32>} : memref<256x50xf32, #tpu.memory_space<vmem>>, vector<1x16xf32>,
        %swap3A_353 = vector.shape_cast %swap3A_352 : vector<1x16xf32> to vector<16xf32>
        %swap3A_354 = vector.shape_cast %get3A_349 : vector<16xf32> to vector<1x16xf32>
        tpu.vector_store %arg7[%swap3A_350, %swap3A_351], %swap3A_354 {strides = array<i32>} : memref<256x50xf32, #tpu.memory_space<vmem>>, vector<1x16xf32>,
        %get3A_355 = arith.constant 0 : i32
        %get3A_356 = arith.constant 1 : i32
        %get3A_357 = arith.index_cast %get3A_355 : i32 to index
        %get3A_358 = arith.index_cast %get3A_356 : i32 to index
        %get3A_359 = arith.index_cast %scan3A_315 : i32 to index
        %get3A_360 = arith.constant 34 : index
        %get3A_361 = tpu.vector_load %arg6[%get3A_357, %get3A_358, %get3A_359, %get3A_360] {strides = array<i32>} : memref<2x2x128x128xf32, #tpu.memory_space<vmem>>, vector<1x1x1x16xf32>,
        %get3A_362 = vector.shape_cast %get3A_361 : vector<1x1x1x16xf32> to vector<16xf32>
        %swap3A_363 = arith.index_cast %add3A_317 : i32 to index
        %swap3A_364 = arith.constant 34 : index
        %swap3A_365 = tpu.vector_load %arg7[%swap3A_363, %swap3A_364] {strides = array<i32>} : memref<256x50xf32, #tpu.memory_space<vmem>>, vector<1x16xf32>,
        %swap3A_366 = vector.shape_cast %swap3A_365 : vector<1x16xf32> to vector<16xf32>
        %swap3A_367 = vector.shape_cast %get3A_362 : vector<16xf32> to vector<1x16xf32>
        tpu.vector_store %arg7[%swap3A_363, %swap3A_364], %swap3A_367 {strides = array<i32>} : memref<256x50xf32, #tpu.memory_space<vmem>>, vector<1x16xf32>,
      }
      %scan3A_255 = arith.constant 128 : i32
      %mul3A_256 = arith.constant 2 : i32
      %mul3A_257 = arith.muli %add3A_243, %mul3A_256 : i32
      %add3A_258 = arith.addi %mul3A_2, %mul3A_257 : i32
      %mul3A_259 = arith.constant 128 : i32
      %mul3A_260 = arith.muli %add3A_258, %mul3A_259 : i32
      "tpu.region"() ({
        %run_scoped3A_315 = tpu.sem_alloc : memref<!tpu.dma_semaphore, #tpu.memory_space<semaphore_mem>>
        %dma_start3A_316 = arith.constant 0 : i32
        %dma_start3A_317 = tpu.memref_slice %arg4[%mul3A_260, %dma_start3A_316] : memref<3276800x50xf32, #tpu.memory_space<hbm>> -> memref<256x50xf32, #tpu.memory_space<hbm>>
        %dma_start3A_318 = arith.constant 0 : i32
        %dma_start3A_319 = tpu.memref_slice %arg4[%mul3A_260, %dma_start3A_318] : memref<3276800x50xf32, #tpu.memory_space<hbm>> -> memref<256x50xf32, #tpu.memory_space<hbm>>
        tpu.enqueue_dma source(%arg7 : memref<256x50xf32, #tpu.memory_space<vmem>>) target(%dma_start3A_319 : memref<256x50xf32, #tpu.memory_space<hbm>>) target_semaphore(%run_scoped3A_315 : memref<!tpu.dma_semaphore, #tpu.memory_space<semaphore_mem>>)
        %dma_wait3A_320 = arith.constant 0 : i32
        %dma_wait3A_321 = tpu.memref_slice %arg4[%mul3A_260, %dma_wait3A_320] : memref<3276800x50xf32, #tpu.memory_space<hbm>> -> memref<256x50xf32, #tpu.memory_space<hbm>>
        %dma_wait3A_322 = arith.constant 0 : i32
        %dma_wait3A_323 = tpu.memref_slice %arg4[%mul3A_260, %dma_wait3A_322] : memref<3276800x50xf32, #tpu.memory_space<hbm>> -> memref<256x50xf32, #tpu.memory_space<hbm>>
        tpu.wait_dma2 semaphore(%run_scoped3A_315 : memref<!tpu.dma_semaphore, #tpu.memory_space<semaphore_mem>>) src(%arg7 : memref<256x50xf32, #tpu.memory_space<vmem>>) dst(%dma_wait3A_323 : memref<256x50xf32, #tpu.memory_space<hbm>>)
        tpu.yield
      }) : () -> ()
      %dma_wait3A_261 = arith.constant 6 : i32
      %dma_wait3A_262 = arith.constant 1 : i32
      %dma_wait3A_263 = arith.constant 0 : i32
      %dma_wait3A_264 = arith.constant 0 : i32
      %dma_wait3A_265 = arith.constant 0 : i32
      %dma_wait3A_266 = tpu.memref_slice %arg6[%dma_wait3A_262, %dma_wait3A_263, %dma_wait3A_264, %dma_wait3A_265] : memref<2x2x128x128xf32, #tpu.memory_space<vmem>> -> memref<1x1x128x128xf32, #tpu.memory_space<vmem>>
      %dma_wait3A_267 = tpu.memref_squeeze %dma_wait3A_266 : memref<1x1x128x128xf32, #tpu.memory_space<vmem>> -> memref<128x128xf32, #tpu.memory_space<vmem>>
      %dma_wait3A_268 = arith.constant 0 : i32
      %dma_wait3A_269 = tpu.memref_slice %arg5[%rem3A_38, %dma_wait3A_261, %dma_wait3A_268] : memref<2x8x128xi32, #tpu.memory_space<vmem>> -> memref<1x1x128xi32, #tpu.memory_space<vmem>>
      %dma_wait3A_270 = tpu.memref_squeeze %dma_wait3A_269 : memref<1x1x128xi32, #tpu.memory_space<vmem>> -> memref<128xi32, #tpu.memory_space<vmem>>
      %dma_wait3A_271 = arith.constant 0 : i32
      %dma_wait3A_272 = arith.constant 0 : i32
      %dma_wait3A_273 = tpu.memref_slice %arg2[%dma_wait3A_271, %dma_wait3A_272] : memref<400003x128xf32, #tpu.memory_space<hbm>> -> memref<400003x128xf32, #tpu.memory_space<hbm>>
      tpu.wait_indirect_dma semaphore(%arg8 : memref<!tpu.dma_semaphore, #tpu.memory_space<semaphore_mem>>) src(%dma_wait3A_273 : memref<400003x128xf32, #tpu.memory_space<hbm>>) dst(%dma_wait3A_267 : memref<128x128xf32, #tpu.memory_space<vmem>>)
      %dma_wait3A_274 = arith.constant 7 : i32
      %dma_wait3A_275 = arith.constant 1 : i32
      %dma_wait3A_276 = arith.constant 1 : i32
      %dma_wait3A_277 = arith.constant 0 : i32
      %dma_wait3A_278 = arith.constant 0 : i32
      %dma_wait3A_279 = tpu.memref_slice %arg6[%dma_wait3A_275, %dma_wait3A_276, %dma_wait3A_277, %dma_wait3A_278] : memref<2x2x128x128xf32, #tpu.memory_space<vmem>> -> memref<1x1x128x128xf32, #tpu.memory_space<vmem>>
      %dma_wait3A_280 = tpu.memref_squeeze %dma_wait3A_279 : memref<1x1x128x128xf32, #tpu.memory_space<vmem>> -> memref<128x128xf32, #tpu.memory_space<vmem>>
      %dma_wait3A_281 = arith.constant 0 : i32
      %dma_wait3A_282 = tpu.memref_slice %arg5[%rem3A_38, %dma_wait3A_274, %dma_wait3A_281] : memref<2x8x128xi32, #tpu.memory_space<vmem>> -> memref<1x1x128xi32, #tpu.memory_space<vmem>>
      %dma_wait3A_283 = tpu.memref_squeeze %dma_wait3A_282 : memref<1x1x128xi32, #tpu.memory_space<vmem>> -> memref<128xi32, #tpu.memory_space<vmem>>
      %dma_wait3A_284 = arith.constant 0 : i32
      %dma_wait3A_285 = arith.constant 0 : i32
      %dma_wait3A_286 = tpu.memref_slice %arg2[%dma_wait3A_284, %dma_wait3A_285] : memref<400003x128xf32, #tpu.memory_space<hbm>> -> memref<400003x128xf32, #tpu.memory_space<hbm>>
      tpu.wait_indirect_dma semaphore(%arg8 : memref<!tpu.dma_semaphore, #tpu.memory_space<semaphore_mem>>) src(%dma_wait3A_286 : memref<400003x128xf32, #tpu.memory_space<hbm>>) dst(%dma_wait3A_280 : memref<128x128xf32, #tpu.memory_space<vmem>>)
      %add3A_287 = arith.constant 1 : i32
      %add3A_288 = arith.addi %scan3A_37, %add3A_287 : i32
      %lt3A_289 = arith.constant 100 : i32
      %lt3A_290 = arith.cmpi slt, %add3A_288, %lt3A_289 : i32
      %convert_element_type3A_291 = arith.extui %lt3A_290 : i1 to i32
      %cond3A_292 = arith.constant 0 : i32
      %cond3A_293 = arith.cmpi ne, %convert_element_type3A_291, %cond3A_292 : i32
      scf.if %cond3A_293 {
        %sub3A = arith.constant 1 : i32
        %sub3A_315 = arith.subi %sub3A, %rem3A_38 : i32
        %dma_start3A_316 = arith.constant 0 : i32
        %dma_start3A_317 = arith.constant 0 : i32
        %dma_start3A_318 = arith.constant 0 : i32
        %dma_start3A_319 = arith.constant 0 : i32
        %dma_start3A_320 = arith.constant 0 : i32
        %dma_start3A_321 = tpu.memref_slice %arg6[%dma_start3A_317, %dma_start3A_318, %dma_start3A_319, %dma_start3A_320] : memref<2x2x128x128xf32, #tpu.memory_space<vmem>> -> memref<1x1x128x128xf32, #tpu.memory_space<vmem>>
        %dma_start3A_322 = tpu.memref_squeeze %dma_start3A_321 : memref<1x1x128x128xf32, #tpu.memory_space<vmem>> -> memref<128x128xf32, #tpu.memory_space<vmem>>
        %dma_start3A_323 = arith.constant 0 : i32
        %dma_start3A_324 = tpu.memref_slice %arg5[%sub3A_315, %dma_start3A_316, %dma_start3A_323] : memref<2x8x128xi32, #tpu.memory_space<vmem>> -> memref<1x1x128xi32, #tpu.memory_space<vmem>>
        %dma_start3A_325 = tpu.memref_squeeze %dma_start3A_324 : memref<1x1x128xi32, #tpu.memory_space<vmem>> -> memref<128xi32, #tpu.memory_space<vmem>>
        %dma_start3A_326 = arith.constant 0 : i32
        %dma_start3A_327 = arith.constant 0 : i32
        %dma_start3A_328 = tpu.memref_slice %arg2[%dma_start3A_326, %dma_start3A_327] : memref<400003x128xf32, #tpu.memory_space<hbm>> -> memref<400003x128xf32, #tpu.memory_space<hbm>>
        tpu.enqueue_indirect_dma source(%dma_start3A_328 : memref<400003x128xf32, #tpu.memory_space<hbm>>) target(%dma_start3A_322 : memref<128x128xf32, #tpu.memory_space<vmem>>) offsets(%dma_start3A_325 : memref<128xi32, #tpu.memory_space<vmem>>) semaphore(%arg8 : memref<!tpu.dma_semaphore, #tpu.memory_space<semaphore_mem>>)
        %dma_start3A_329 = arith.constant 1 : i32
        %dma_start3A_330 = arith.constant 0 : i32
        %dma_start3A_331 = arith.constant 1 : i32
        %dma_start3A_332 = arith.constant 0 : i32
        %dma_start3A_333 = arith.constant 0 : i32
        %dma_start3A_334 = tpu.memref_slice %arg6[%dma_start3A_330, %dma_start3A_331, %dma_start3A_332, %dma_start3A_333] : memref<2x2x128x128xf32, #tpu.memory_space<vmem>> -> memref<1x1x128x128xf32, #tpu.memory_space<vmem>>
        %dma_start3A_335 = tpu.memref_squeeze %dma_start3A_334 : memref<1x1x128x128xf32, #tpu.memory_space<vmem>> -> memref<128x128xf32, #tpu.memory_space<vmem>>
        %dma_start3A_336 = arith.constant 0 : i32
        %dma_start3A_337 = tpu.memref_slice %arg5[%sub3A_315, %dma_start3A_329, %dma_start3A_336] : memref<2x8x128xi32, #tpu.memory_space<vmem>> -> memref<1x1x128xi32, #tpu.memory_space<vmem>>
        %dma_start3A_338 = tpu.memref_squeeze %dma_start3A_337 : memref<1x1x128xi32, #tpu.memory_space<vmem>> -> memref<128xi32, #tpu.memory_space<vmem>>
        %dma_start3A_339 = arith.constant 0 : i32
        %dma_start3A_340 = arith.constant 0 : i32
        %dma_start3A_341 = tpu.memref_slice %arg2[%dma_start3A_339, %dma_start3A_340] : memref<400003x128xf32, #tpu.memory_space<hbm>> -> memref<400003x128xf32, #tpu.memory_space<hbm>>
        tpu.enqueue_indirect_dma source(%dma_start3A_341 : memref<400003x128xf32, #tpu.memory_space<hbm>>) target(%dma_start3A_335 : memref<128x128xf32, #tpu.memory_space<vmem>>) offsets(%dma_start3A_338 : memref<128xi32, #tpu.memory_space<vmem>>) semaphore(%arg8 : memref<!tpu.dma_semaphore, #tpu.memory_space<semaphore_mem>>)
      } else {
      }
      %mul3A_294 = arith.constant 4 : i32
      %mul3A_295 = arith.muli %scan3A_37, %mul3A_294 : i32
      %add3A_296 = arith.constant 3 : i32
      %add3A_297 = arith.addi %mul3A_295, %add3A_296 : i32
      %scan3A_298 = arith.constant 0 : i32
      %scan3A_299 = arith.constant 0 : i32
      %scan3A_300 = arith.constant 128 : i32
      %scan3A_301 = arith.addi %scan3A_299, %scan3A_300 : i32
      %scan3A_302 = arith.constant 1 : i32
      scf.for %scan3A_315 = %scan3A_299 to %scan3A_301 step %scan3A_302  : i32 {
        %add3A_316 = arith.constant 0 : i32
        %add3A_317 = arith.addi %add3A_316, %scan3A_315 : i32
        %get3A = arith.constant 1 : i32
        %get3A_318 = arith.constant 0 : i32
        %get3A_319 = arith.index_cast %get3A : i32 to index
        %get3A_320 = arith.index_cast %get3A_318 : i32 to index
        %get3A_321 = arith.index_cast %scan3A_315 : i32 to index
        %get3A_322 = arith.constant 0 : index
        %get3A_323 = tpu.vector_load %arg6[%get3A_319, %get3A_320, %get3A_321, %get3A_322] {strides = array<i32>} : memref<2x2x128x128xf32, #tpu.memory_space<vmem>>, vector<1x1x1x16xf32>,
        %get3A_324 = vector.shape_cast %get3A_323 : vector<1x1x1x16xf32> to vector<16xf32>
        %swap3A = arith.index_cast %add3A_317 : i32 to index
        %swap3A_325 = arith.constant 0 : index
        %swap3A_326 = tpu.vector_load %arg7[%swap3A, %swap3A_325] {strides = array<i32>} : memref<256x50xf32, #tpu.memory_space<vmem>>, vector<1x16xf32>,
        %swap3A_327 = vector.shape_cast %swap3A_326 : vector<1x16xf32> to vector<16xf32>
        %swap3A_328 = vector.shape_cast %get3A_324 : vector<16xf32> to vector<1x16xf32>
        tpu.vector_store %arg7[%swap3A, %swap3A_325], %swap3A_328 {strides = array<i32>} : memref<256x50xf32, #tpu.memory_space<vmem>>, vector<1x16xf32>,
        %get3A_329 = arith.constant 1 : i32
        %get3A_330 = arith.constant 0 : i32
        %get3A_331 = arith.index_cast %get3A_329 : i32 to index
        %get3A_332 = arith.index_cast %get3A_330 : i32 to index
        %get3A_333 = arith.index_cast %scan3A_315 : i32 to index
        %get3A_334 = arith.constant 16 : index
        %get3A_335 = tpu.vector_load %arg6[%get3A_331, %get3A_332, %get3A_333, %get3A_334] {strides = array<i32>} : memref<2x2x128x128xf32, #tpu.memory_space<vmem>>, vector<1x1x1x16xf32>,
        %get3A_336 = vector.shape_cast %get3A_335 : vector<1x1x1x16xf32> to vector<16xf32>
        %swap3A_337 = arith.index_cast %add3A_317 : i32 to index
        %swap3A_338 = arith.constant 16 : index
        %swap3A_339 = tpu.vector_load %arg7[%swap3A_337, %swap3A_338] {strides = array<i32>} : memref<256x50xf32, #tpu.memory_space<vmem>>, vector<1x16xf32>,
        %swap3A_340 = vector.shape_cast %swap3A_339 : vector<1x16xf32> to vector<16xf32>
        %swap3A_341 = vector.shape_cast %get3A_336 : vector<16xf32> to vector<1x16xf32>
        tpu.vector_store %arg7[%swap3A_337, %swap3A_338], %swap3A_341 {strides = array<i32>} : memref<256x50xf32, #tpu.memory_space<vmem>>, vector<1x16xf32>,
        %get3A_342 = arith.constant 1 : i32
        %get3A_343 = arith.constant 0 : i32
        %get3A_344 = arith.index_cast %get3A_342 : i32 to index
        %get3A_345 = arith.index_cast %get3A_343 : i32 to index
        %get3A_346 = arith.index_cast %scan3A_315 : i32 to index
        %get3A_347 = arith.constant 32 : index
        %get3A_348 = tpu.vector_load %arg6[%get3A_344, %get3A_345, %get3A_346, %get3A_347] {strides = array<i32>} : memref<2x2x128x128xf32, #tpu.memory_space<vmem>>, vector<1x1x1x16xf32>,
        %get3A_349 = vector.shape_cast %get3A_348 : vector<1x1x1x16xf32> to vector<16xf32>
        %swap3A_350 = arith.index_cast %add3A_317 : i32 to index
        %swap3A_351 = arith.constant 32 : index
        %swap3A_352 = tpu.vector_load %arg7[%swap3A_350, %swap3A_351] {strides = array<i32>} : memref<256x50xf32, #tpu.memory_space<vmem>>, vector<1x16xf32>,
        %swap3A_353 = vector.shape_cast %swap3A_352 : vector<1x16xf32> to vector<16xf32>
        %swap3A_354 = vector.shape_cast %get3A_349 : vector<16xf32> to vector<1x16xf32>
        tpu.vector_store %arg7[%swap3A_350, %swap3A_351], %swap3A_354 {strides = array<i32>} : memref<256x50xf32, #tpu.memory_space<vmem>>, vector<1x16xf32>,
        %get3A_355 = arith.constant 1 : i32
        %get3A_356 = arith.constant 0 : i32
        %get3A_357 = arith.index_cast %get3A_355 : i32 to index
        %get3A_358 = arith.index_cast %get3A_356 : i32 to index
        %get3A_359 = arith.index_cast %scan3A_315 : i32 to index
        %get3A_360 = arith.constant 34 : index
        %get3A_361 = tpu.vector_load %arg6[%get3A_357, %get3A_358, %get3A_359, %get3A_360] {strides = array<i32>} : memref<2x2x128x128xf32, #tpu.memory_space<vmem>>, vector<1x1x1x16xf32>,
        %get3A_362 = vector.shape_cast %get3A_361 : vector<1x1x1x16xf32> to vector<16xf32>
        %swap3A_363 = arith.index_cast %add3A_317 : i32 to index
        %swap3A_364 = arith.constant 34 : index
        %swap3A_365 = tpu.vector_load %arg7[%swap3A_363, %swap3A_364] {strides = array<i32>} : memref<256x50xf32, #tpu.memory_space<vmem>>, vector<1x16xf32>,
        %swap3A_366 = vector.shape_cast %swap3A_365 : vector<1x16xf32> to vector<16xf32>
        %swap3A_367 = vector.shape_cast %get3A_362 : vector<16xf32> to vector<1x16xf32>
        tpu.vector_store %arg7[%swap3A_363, %swap3A_364], %swap3A_367 {strides = array<i32>} : memref<256x50xf32, #tpu.memory_space<vmem>>, vector<1x16xf32>,
      }
      %scan3A_303 = arith.constant 128 : i32
      %scan3A_304 = arith.constant 0 : i32
      %scan3A_305 = arith.constant 0 : i32
      %scan3A_306 = arith.constant 128 : i32
      %scan3A_307 = arith.addi %scan3A_305, %scan3A_306 : i32
      %scan3A_308 = arith.constant 1 : i32
      scf.for %scan3A_315 = %scan3A_305 to %scan3A_307 step %scan3A_308  : i32 {
        %add3A_316 = arith.constant 128 : i32
        %add3A_317 = arith.addi %add3A_316, %scan3A_315 : i32
        %get3A = arith.constant 1 : i32
        %get3A_318 = arith.constant 1 : i32
        %get3A_319 = arith.index_cast %get3A : i32 to index
        %get3A_320 = arith.index_cast %get3A_318 : i32 to index
        %get3A_321 = arith.index_cast %scan3A_315 : i32 to index
        %get3A_322 = arith.constant 0 : index
        %get3A_323 = tpu.vector_load %arg6[%get3A_319, %get3A_320, %get3A_321, %get3A_322] {strides = array<i32>} : memref<2x2x128x128xf32, #tpu.memory_space<vmem>>, vector<1x1x1x16xf32>,
        %get3A_324 = vector.shape_cast %get3A_323 : vector<1x1x1x16xf32> to vector<16xf32>
        %swap3A = arith.index_cast %add3A_317 : i32 to index
        %swap3A_325 = arith.constant 0 : index
        %swap3A_326 = tpu.vector_load %arg7[%swap3A, %swap3A_325] {strides = array<i32>} : memref<256x50xf32, #tpu.memory_space<vmem>>, vector<1x16xf32>,
        %swap3A_327 = vector.shape_cast %swap3A_326 : vector<1x16xf32> to vector<16xf32>
        %swap3A_328 = vector.shape_cast %get3A_324 : vector<16xf32> to vector<1x16xf32>
        tpu.vector_store %arg7[%swap3A, %swap3A_325], %swap3A_328 {strides = array<i32>} : memref<256x50xf32, #tpu.memory_space<vmem>>, vector<1x16xf32>,
        %get3A_329 = arith.constant 1 : i32
        %get3A_330 = arith.constant 1 : i32
        %get3A_331 = arith.index_cast %get3A_329 : i32 to index
        %get3A_332 = arith.index_cast %get3A_330 : i32 to index
        %get3A_333 = arith.index_cast %scan3A_315 : i32 to index
        %get3A_334 = arith.constant 16 : index
        %get3A_335 = tpu.vector_load %arg6[%get3A_331, %get3A_332, %get3A_333, %get3A_334] {strides = array<i32>} : memref<2x2x128x128xf32, #tpu.memory_space<vmem>>, vector<1x1x1x16xf32>,
        %get3A_336 = vector.shape_cast %get3A_335 : vector<1x1x1x16xf32> to vector<16xf32>
        %swap3A_337 = arith.index_cast %add3A_317 : i32 to index
        %swap3A_338 = arith.constant 16 : index
        %swap3A_339 = tpu.vector_load %arg7[%swap3A_337, %swap3A_338] {strides = array<i32>} : memref<256x50xf32, #tpu.memory_space<vmem>>, vector<1x16xf32>,
        %swap3A_340 = vector.shape_cast %swap3A_339 : vector<1x16xf32> to vector<16xf32>
        %swap3A_341 = vector.shape_cast %get3A_336 : vector<16xf32> to vector<1x16xf32>
        tpu.vector_store %arg7[%swap3A_337, %swap3A_338], %swap3A_341 {strides = array<i32>} : memref<256x50xf32, #tpu.memory_space<vmem>>, vector<1x16xf32>,
        %get3A_342 = arith.constant 1 : i32
        %get3A_343 = arith.constant 1 : i32
        %get3A_344 = arith.index_cast %get3A_342 : i32 to index
        %get3A_345 = arith.index_cast %get3A_343 : i32 to index
        %get3A_346 = arith.index_cast %scan3A_315 : i32 to index
        %get3A_347 = arith.constant 32 : index
        %get3A_348 = tpu.vector_load %arg6[%get3A_344, %get3A_345, %get3A_346, %get3A_347] {strides = array<i32>} : memref<2x2x128x128xf32, #tpu.memory_space<vmem>>, vector<1x1x1x16xf32>,
        %get3A_349 = vector.shape_cast %get3A_348 : vector<1x1x1x16xf32> to vector<16xf32>
        %swap3A_350 = arith.index_cast %add3A_317 : i32 to index
        %swap3A_351 = arith.constant 32 : index
        %swap3A_352 = tpu.vector_load %arg7[%swap3A_350, %swap3A_351] {strides = array<i32>} : memref<256x50xf32, #tpu.memory_space<vmem>>, vector<1x16xf32>,
        %swap3A_353 = vector.shape_cast %swap3A_352 : vector<1x16xf32> to vector<16xf32>
        %swap3A_354 = vector.shape_cast %get3A_349 : vector<16xf32> to vector<1x16xf32>
        tpu.vector_store %arg7[%swap3A_350, %swap3A_351], %swap3A_354 {strides = array<i32>} : memref<256x50xf32, #tpu.memory_space<vmem>>, vector<1x16xf32>,
        %get3A_355 = arith.constant 1 : i32
        %get3A_356 = arith.constant 1 : i32
        %get3A_357 = arith.index_cast %get3A_355 : i32 to index
        %get3A_358 = arith.index_cast %get3A_356 : i32 to index
        %get3A_359 = arith.index_cast %scan3A_315 : i32 to index
        %get3A_360 = arith.constant 34 : index
        %get3A_361 = tpu.vector_load %arg6[%get3A_357, %get3A_358, %get3A_359, %get3A_360] {strides = array<i32>} : memref<2x2x128x128xf32, #tpu.memory_space<vmem>>, vector<1x1x1x16xf32>,
        %get3A_362 = vector.shape_cast %get3A_361 : vector<1x1x1x16xf32> to vector<16xf32>
        %swap3A_363 = arith.index_cast %add3A_317 : i32 to index
        %swap3A_364 = arith.constant 34 : index
        %swap3A_365 = tpu.vector_load %arg7[%swap3A_363, %swap3A_364] {strides = array<i32>} : memref<256x50xf32, #tpu.memory_space<vmem>>, vector<1x16xf32>,
        %swap3A_366 = vector.shape_cast %swap3A_365 : vector<1x16xf32> to vector<16xf32>
        %swap3A_367 = vector.shape_cast %get3A_362 : vector<16xf32> to vector<1x16xf32>
        tpu.vector_store %arg7[%swap3A_363, %swap3A_364], %swap3A_367 {strides = array<i32>} : memref<256x50xf32, #tpu.memory_space<vmem>>, vector<1x16xf32>,
      }
      %scan3A_309 = arith.constant 128 : i32
      %mul3A_310 = arith.constant 2 : i32
      %mul3A_311 = arith.muli %add3A_297, %mul3A_310 : i32
      %add3A_312 = arith.addi %mul3A_2, %mul3A_311 : i32
      %mul3A_313 = arith.constant 128 : i32
      %mul3A_314 = arith.muli %add3A_312, %mul3A_313 : i32
      "tpu.region"() ({
        %run_scoped3A_315 = tpu.sem_alloc : memref<!tpu.dma_semaphore, #tpu.memory_space<semaphore_mem>>
        %dma_start3A_316 = arith.constant 0 : i32
        %dma_start3A_317 = tpu.memref_slice %arg4[%mul3A_314, %dma_start3A_316] : memref<3276800x50xf32, #tpu.memory_space<hbm>> -> memref<256x50xf32, #tpu.memory_space<hbm>>
        %dma_start3A_318 = arith.constant 0 : i32
        %dma_start3A_319 = tpu.memref_slice %arg4[%mul3A_314, %dma_start3A_318] : memref<3276800x50xf32, #tpu.memory_space<hbm>> -> memref<256x50xf32, #tpu.memory_space<hbm>>
        tpu.enqueue_dma source(%arg7 : memref<256x50xf32, #tpu.memory_space<vmem>>) target(%dma_start3A_319 : memref<256x50xf32, #tpu.memory_space<hbm>>) target_semaphore(%run_scoped3A_315 : memref<!tpu.dma_semaphore, #tpu.memory_space<semaphore_mem>>)
        %dma_wait3A_320 = arith.constant 0 : i32
        %dma_wait3A_321 = tpu.memref_slice %arg4[%mul3A_314, %dma_wait3A_320] : memref<3276800x50xf32, #tpu.memory_space<hbm>> -> memref<256x50xf32, #tpu.memory_space<hbm>>
        %dma_wait3A_322 = arith.constant 0 : i32
        %dma_wait3A_323 = tpu.memref_slice %arg4[%mul3A_314, %dma_wait3A_322] : memref<3276800x50xf32, #tpu.memory_space<hbm>> -> memref<256x50xf32, #tpu.memory_space<hbm>>
        tpu.wait_dma2 semaphore(%run_scoped3A_315 : memref<!tpu.dma_semaphore, #tpu.memory_space<semaphore_mem>>) src(%arg7 : memref<256x50xf32, #tpu.memory_space<vmem>>) dst(%dma_wait3A_323 : memref<256x50xf32, #tpu.memory_space<hbm>>)
        tpu.yield
      }) : () -> ()
    }
    %scan3A_36 = arith.constant 100 : i32
    return
  }
}

</mosaic_0001>

<sc_bundles>
// kernel: kernel.3.cloned.1.call-start
scs
__scs_entry_jumppad:
0x0: {  	(pc) =	sbr.rel $0x88, $3  }
0x1: {  	(tag) =	ssettag $0x0;
	lr =	simm.s32 $0x1  }
0x2: {  	[smem:$0x3F9F] =	sst lr;
	_ =	strace $0xD0000000  }
0x3: {  	_ = 	snop  }
0x4: {  	_ = 	snop  }
0x5: {  	_ = 	snop  }
0x6: {  	_ = 	snop  }
0x7: {  	_ = 	snop  }
__scs_overlays_trampoline_lowered:
0x8: {  	[smem:$0x3FAE] =	sst s0  }
0x9: {  	[smem:$0x3FAF] =	sst s1  }
0xa: {  	[smem:$0x3FB0] =	sst s2  }
0xb: {  	[smem:$0x3FB1] =	sst s3  }
0xc: {  	[smem:$0x3FB2] =	sst s4  }
0xd: {  	[smem:$0x3FB3] =	sst s5  }
0xe: {  	[smem:$0x3FB4] =	sst s6  }
0xf: {  	[smem:$0x3FB5] =	sst s7  }
0x10: {  	[smem:$0x3FB6] =	sst s8  }
0x11: {  	[smem:$0x3FB7] =	sst s9;
	s0 =	simm.s32 @!p0 $0x0  }
0x12: {  	s1 =	sld [smem:$0x3F9D];
	s0 =	simm.s32 @p0 $0x1  }
0x13: {  	[smem:$0x3FB8] =	sst s0;
	s0 =	simm.s32 @!p1 $0x0  }
0x14: {  	s2 =	sld [smem:$0x3F9C];
	s0 =	simm.s32 @p1 $0x1  }
0x15: {  	[smem:$0x3FB9] =	sst s0;
	s0 =	simm.s32 @!p2 $0x0  }
0x16: {  	s3 =	sld [smem:$0x3FDB];
	s0 =	simm.s32 @p2 $0x1  }
0x17: {  	s4 =	simm.s32 $0x1BF5;
	[smem:$0x3FBB] =	sst s0  }
0x18: {  	s0 =	sld [smem:$0x3F9E];
	_ =	swait.ge [sflag:s4], $0x0  }
0x19: {  	s7 =	sld [smem:$0x3F9F]  }
0x1a: {  	s8 =	sadd.s32 $0xFFFFE003, lr  }
0x1b: {  	s9 =	sadd.s32 $0xFFFFFEF7, lr;
	s5 =	simm.s32 $0xFFFFFFFF;
	p2 =	slt.u32 s8, $0xFFFFF086  }
0x1c: {  	p1 =	slt.u32 s9, $0xF7A;
	s5 =	simm.s32 @!p2 $0x0  }
0x1d: {  	s5 =	simm.s32 @p1 $0x1;
	p0 =	seq.s32 s7, s2  }
0x1e: {  	s7 =	smul.u32 @!p0 $0xF7A, s2;
	p2 =	seq.s32 @!p0 s5, $0x0  }
0x1f: {  	s9 =	smul.u32 $0xF7A, s1;
	s8 =	simm.s32 @!p0 $0x1BF5;
	p2 =	por !p2, p0  }
0x20: {  	[sflag:s8] =	ssyncset.s32 @!p0 $0xFFFFF086;
	s6 =	sadd.s32 @!p0 s3, s7;
	s7 =	simm.s32 @!p0 $0x108  }
0x21: {  	s3 =	sadd.s32 s3, s9;
	s6 =	sadd.s32 @!p0 $0x88, s6;
	s7 =	simm.s32 @p2 $0x1082  }
0x22: {  	[simem:s7], [sflag:s8] =	dma.local @!p0 [hbm:s6], $0xF7A  }
0x23: {  	s9 =	sor.u32 $0xD0000000, s2;
	s6 =	simm.s32 $0x108;
	_ =	swait.ge @!p0 [sflag:s8], $0x0  }
0x24: {  	s3 =	sadd.s32 $0x88, s3;
	s6 =	simm.s32 @!p1 $0x1082;
	[sflag:s4] =	ssyncset.s32 $0xFFFFF086  }
0x25: {  	[simem:s6], [sflag:s4] =	dma.local [hbm:s3], $0xF7A  }
0x26: {  	[smem:$0x3F9F] =	sst s1;
	(tag) =	ssettag s2;
	_ =	strace s9  }
0x27: {  	s1 =	sld [smem:$0x3FAF]  }
0x28: {  	s2 =	sld [smem:$0x3FB0]  }
0x29: {  	s4 =	sld [smem:$0x3FB2]  }
0x2a: {  	p0 =	seq.s32 s5, $0x0;
	s5 =	sld [smem:$0x3FB3]  }
0x2b: {  	s6 =	sld [smem:$0x3FB4]  }
0x2c: {  	s7 =	sld [smem:$0x3FB5]  }
0x2d: {  	s3 =	simm.s32 $0x108;
	s8 =	sld [smem:$0x3FB6]  }
0x2e: {  	s3 =	simm.s32 @!p0 $0x1082;
	s9 =	sld [smem:$0x3FB7]  }
0x2f: {  	lr =	sadd.s32 s0, s3;
	s0 =	sld [smem:$0x3FAE]  }
0x30: {  	s3 =	sld [smem:$0x3FB1]  }
0x31: {  	[smem:$0x3FBA] =	sst s10  }
0x32: {  	s10 =	sld [smem:$0x3FB8];
	_ =	sdelay $0x3  }
0x33: {  	p0 =	seq.s32 s10, $0x1;
	s10 =	sld [smem:$0x3FBA];
	_ =	sdelay $0x3  }
0x34: {  	[smem:$0x3FBA] =	sst s10  }
0x35: {  	s10 =	sld [smem:$0x3FB9];
	_ =	sdelay $0x3  }
0x36: {  	p1 =	seq.s32 s10, $0x1;
	s10 =	sld [smem:$0x3FBA];
	_ =	sdelay $0x3  }
0x37: {  	[smem:$0x3FBA] =	sst s10  }
0x38: {  	s10 =	sld [smem:$0x3FBB]  }
0x39: {  	_ = 	snop;
	(pc) =	sbr.ind lr, $3  }
0x3a: {  	_ = 	snop  }
0x3b: {  	_ = 	snop  }
0x3c: {  	p2 =	seq.s32 s10, $0x1;
	s10 =	sld [smem:$0x3FBA]  }
0x3d: {  	_ =	shalt  }
0x3e: {  	_ =	shalt  }
0x3f: {  	_ =	shalt  }
0x40: {  	_ =	shalt  }
0x41: {  	_ =	shalt  }
0x42: {  	_ =	shalt  }
0x43: {  	_ =	shalt  }
0x44: {  	_ =	shalt  }
0x45: {  	_ =	shalt  }
0x46: {  	_ =	shalt  }
0x47: {  	_ =	shalt  }
0x48: {  	_ =	shalt  }
0x49: {  	_ =	shalt  }
0x4a: {  	_ =	shalt  }
0x4b: {  	_ =	shalt  }
0x4c: {  	_ =	shalt  }
0x4d: {  	_ =	shalt  }
0x4e: {  	_ =	shalt  }
0x4f: {  	_ =	shalt  }
0x50: {  	_ =	shalt  }
0x51: {  	_ =	shalt  }
0x52: {  	_ =	shalt  }
0x53: {  	_ =	shalt  }
0x54: {  	_ =	shalt  }
0x55: {  	_ =	shalt  }
0x56: {  	_ =	shalt  }
0x57: {  	_ =	shalt  }
0x58: {  	_ =	shalt  }
0x59: {  	_ =	shalt  }
0x5a: {  	_ =	shalt  }
0x5b: {  	_ =	shalt  }
0x5c: {  	_ =	shalt  }
0x5d: {  	_ =	shalt  }
0x5e: {  	_ =	shalt  }
0x5f: {  	_ =	shalt  }
0x60: {  	_ =	shalt  }
0x61: {  	_ =	shalt  }
0x62: {  	_ =	shalt  }
0x63: {  	_ =	shalt  }
0x64: {  	_ =	shalt  }
0x65: {  	_ =	shalt  }
0x66: {  	_ =	shalt  }
0x67: {  	_ =	shalt  }
0x68: {  	_ =	shalt  }
0x69: {  	_ =	shalt  }
0x6a: {  	_ =	shalt  }
0x6b: {  	_ =	shalt  }
0x6c: {  	_ =	shalt  }
0x6d: {  	_ =	shalt  }
0x6e: {  	_ =	shalt  }
0x6f: {  	_ =	shalt  }
0x70: {  	_ =	shalt  }
0x71: {  	_ =	shalt  }
0x72: {  	_ =	shalt  }
0x73: {  	_ =	shalt  }
0x74: {  	_ =	shalt  }
0x75: {  	_ =	shalt  }
0x76: {  	_ =	shalt  }
0x77: {  	_ =	shalt  }
0x78: {  	_ =	shalt  }
0x79: {  	_ =	shalt  }
0x7a: {  	_ =	shalt  }
0x7b: {  	_ =	shalt  }
0x7c: {  	_ =	shalt  }
0x7d: {  	_ =	shalt  }
0x7e: {  	_ =	shalt  }
0x7f: {  	_ =	shalt  }
0x80: {  	_ =	shalt  }
0x81: {  	_ =	shalt  }
0x82: {  	_ =	shalt  }
0x83: {  	_ =	shalt  }
0x84: {  	_ =	shalt  }
0x85: {  	_ =	shalt  }
0x86: {  	_ =	shalt  }
0x87: {  	_ =	shalt  }
.Lfunc_end0:
.L_simem_size_0:
called_computation.1_lowered:
.L_overlay_start_0:
0x88: {  	s2 =	sld [smem:$0x3FD9]  }
0x89: {  	s3 =	sld [smem:$0x3FFE];
	_ =	sdelay $0x1  }
0x8a: {  	s1 =	srdreg.scid  }
0x8b: {  	s0 =	sand.u32 $0x1, s1  }
0x8c: {  	s16 =	sshll.u32 s0, $0xA;
	s2 =	sadd.s32 s3, s2  }
0x8d: {  	s2 =	sadd.s32 s2, s16  }
0x8e: {  	[smem:$0x3FC6] =	sst s2  }
0x8f: {  	_ = 	snop  }
0x90: {  	(tm) =	ssettm $0x1  }
0x91: {  	s17 =	sld [smem:$0x3FFB];
	_ =	sdelay $0x3  }
0x92: {  	_ =	strace s17  }
0x93: {  	s2 =	sld [smem:$0x3FFC];
	_ =	sdelay $0x3  }
0x94: {  	_ =	strace s2  }
0x95: {  	s2 =	sld [smem:$0x3FFD];
	_ =	sdelay $0x3  }
0x96: {  	_ =	strace s2  }
0x97: {  	_ =	strace $0x8FFFFFFF  }
0x98: {  	s18 =	sld [smem:$0x3FDB];
	_ =	sdelay $0x1  }
0x99: {  	s19 =	simm.s32 $_scs_section_size  }
0x9a: {  	s4 =	simm.s32 $_size__tile_overlayer_lowered;
	s5 =	simm.s32 $_tile_overlayer_lowered  }
0x9b: {  	s22 =	simm.s32 $0x1BFF;
	s21 =	sshll.u32 s5, $0x1;
	s2 =	sadd.s32 s19, s18  }
0x9c: {  	s6 =	simm.s32 $0x0;
	s20 =	sshll.u32 s4, $0x1;
	s4 =	sadd.s32 s21, s2  }
0x9d: {  	[timem:s6], [sflag:s22] =	dma.local [hbm:s4], s20  }
0x9e: {  	_ =	swait.ge [sflag:s22], s20  }
0x9f: {  	s3 =	ssub.s32 $0x0, s20;
	[sflag:s22] =	ssyncset.done $0x0  }
0xa0: {  	[sflag:s22] =	ssyncadd.s32 s3;
	_ =	sdelay $0x1  }
0xa1: {  	s23 =	simm.s32 $0x1B8B  }
0xa2: {  	_ =	swait.ge [sflag:s23], $0x1  }
0xa3: {  	[sflag:s23] =	ssyncset.done $0x0  }
0xa4: {  	s25 =	simm.s32 $0x1B8E;
	s24 =	sld [smem:$0x3FFE];
	[sflag:s23] =	ssyncadd.s32 $0xFFFFFFFF  }
0xa5: {  	s26 =	simm.s32 $execute0_lowered;
	[smem:$0x3FD2] =	sst s25  }
0xa6: {  	s4 =	sshll.u32 s26, $0x1;
	_ =	strace $0x80000046;
	[dreg:$0x1] =	wrdreg $0xFFFFFFFF  }
0xa7: {  	s28 =	simm.s32 $_size_execute0_lowered;
	s2 =	sadd.s32 s2, s4;
	[dreg:$0x0] =	wrdreg $0x0  }
0xa8: {  	s4 =	sshll.u32 s28, $0x1;
	[dreg:$0x2] =	wrdreg s2  }
0xa9: {  	[dreg:$0x3] =	wrdreg s4  }
0xaa: {  	[dreg:$0x4] =	wrdreg $0xC0  }
0xab: {  	_ =	task [dreg:s6], $0x5FFFF  }
0xac: {  	[dreg:$0x1] =	wrdreg $0xFFFFFFFF  }
0xad: {  	[dreg:$0x0] =	wrdreg $0x60  }
0xae: {  	[dreg:$0x2] =	wrdreg s24  }
0xaf: {  	[dreg:$0x3] =	wrdreg $0x9  }
0xb0: {  	_ =	task.clear_ibuf [dreg:s6], $0x4FFFF;
	_ =	strace $0x90000046  }
0xb1: {  	s29 =	simm.s32 $0x9;
	_ =	strace $0x80000048  }
0xb2: {  	_ =	swait.ge [sflag:s29], $0x1  }
0xb3: {  	[sflag:s29] =	ssyncadd.s32 $0xFFFFFFFF  }
0xb4: {  	_ =	strace $0x90000048  }
0xb5: {  	_ =	sfence  }
0xb6: {  	s30 =	sld [smem:$0x0];
	_ =	sdelay $0x2  }
0xb7: {  	s31 =	sshll.u32 s1, $0xD;
	s1 =	sshrl.u32 s1, $0x2  }
0xb8: {  	s3 =	sand.u32 $0x4000, s31;
	s1 =	sadd.s32 s1, s30  }
0xb9: {  	s0 =	sor.u32 s3, s0;
	s1 =	sshll.u32 s1, $0x11  }
0xba: {  	s0 =	sor.u32 s1, s0  }
0xbb: {  	s0 =	sadd.s32 $0x8F2B, s0  }
0xbc: {  	[sflag:s0] =	ssyncadd.remote.s32 $0x1  }
0xbd: {  	_ =	sfence.sel $0xFFFF  }
0xbe: {  	[dreg:$0x0] =	wrdreg $0xFFFFFFFF;
	(pc) =	sbr.abs _section_cstart, $3  }
0xbf: {  	[dreg:$0x1] =	wrdreg $0xFFFFFFFF  }
0xc0: {  	_ =	task.clear_ibuf [dreg:s6], $0x2FFFF;
	_ =	strace $0x9FFFFFFF  }
0xc1: {  	(tm) =	ssettm $0x7FFFFFFF  }
tec
execute0_lowered:
.L_overlay_start_1:
0x0: {  	(tag) =	ssettag $0x1  }
0x1: {  	s5 =	rddreg [dreg:$0x0]  }
0x2: {  	s0 =	rddreg [dreg:$0x1];
	s2 =	simm.s32 $0x0;
	s3 =	srdreg.scid  }
0x3: {  	s1 =	stileid.u32;
	s13 =	simm.s32 $0x2;
	s14 =	simm.s32 $0x80  }
0x4: {  	s15 =	simm.s32 $0x800;
	s16 =	simm.s32 $0x4800;
	s17 =	simm.s32 $0x1  }
0x5: {  	s18 =	simm.s32 $0x8800;
	s19 =	simm.s32 $0xC800;
	s20 =	simm.s32 $0x10800  }
0x6: {  	s21 =	simm.s32 $0x0;
	s4 =	sand.u32 $0x1, s3;
	s31 =	sshll.u32 s1, $0x1  }
0x7: {  	[smem:$0x7FF] =	sst s2;
	s3 =	sadd.s32 $0x64800, s5;
	s8 =	sor.u32 s4, s31  }
0x8: {  	_ =	strace $0x80000047;
	s6 =	ssub.s32 $0x2, s4;
	s7 =	smul.u32 $0x3200, s8  }
0x9: {  	s4 =	sadd.s32 $0x800, s5;
	s9 =	sshrl.u32 s6, $0x1;
	s11 =	smul.u32 $0x320, s8  }
0xa: {  	s5 =	sadd.s32 $0x67F200, s5;
	s8 =	smul.u32 $0xC80000, s8;
	s12 =	ssub.s32 s6, s9  }
0xb: {  	s6 =	sadd.s32 s4, s7;
	s7 =	sshrl.u32 s11, $0x3;
	s9 =	sor.u32 $0x2, s11  }
0xc: {  	s10 =	sor.u32 $0x4, s11;
	s11 =	sor.u32 $0x6, s11;
	s12 =	smax.u32 s12, $0x1  }
.LBB2_1:
0xd: {  	[tilespmem:s2], [sflag:$0x2] =	stream.linear.gather [hbm4b:s6+s2], $0x400, $0x38;
	[tilespmem:$0x18800] =	vst v63  }
0xe: {  	_ =	swait.ge [sflag:s13], $0x400  }
0xf: {  	[sflag:s13] =	ssyncset.done $0x0  }
0x10: {  	[sflag:s13] =	ssyncadd.s32 $0xFFFFFC00  }
0x11: {  	[tilespmem:s15], [sflag:$0x1] =	stream.indirect.gather [hbm4b:s3+s14], $0x80, s2, s14, $0xb8;
	[tilespmem:$0x18800] =	vst v63  }
0x12: {  	s24 =	simm.s32 $0x0  }
0x13: {  	[tilespmem:s16], [sflag:$0x1] =	stream.indirect.gather [hbm4b:s3+s14], $0x80, s14, s14, $0xb8;
	[tilespmem:$0x18800] =	vst v63  }
.LBB2_2:
0x14: {  	s22 =	sadd.s32 $0x1, s24;
	p0 =	seq.s32 s24, $0x63  }
0x15: {  	s25 =	sadd.s32 @!p0 s7, s22;
	s23 =	sshll.u32 @!p0 s24, $0xA  }
0x16: {  	s23 =	sand.u32 @!p0 $0x400, s23;
	s25 =	sshll.u32 @!p0 s25, $0x7  }
0x17: {  	s28 =	simm.s32 @!p0 $0x0;
	s26 =	sxor.u32 @!p0 $0x400, s23;
	s25 =	sadd.s32 @!p0 s4, s25  }
0x18: {  	[tilespmem:s26], [sflag:$0x2] =	stream.linear.gather @!p0 [hbm4b:s25+s28], $0x400, $0x38;
	[tilespmem:$0x18800] =	vst v63  }
0x19: {  	s25 =	simm.s32 @!p0 $0x2  }
0x1a: {  	_ =	swait.ge @!p0 [sflag:s25], $0x400  }
0x1b: {  	[sflag:s25] =	ssyncset.done @!p0 $0x0  }
0x1c: {  	[sflag:s25] =	ssyncadd.s32 @!p0 $0xFFFFFC00  }
0x1d: {  	_ =	swait.ge [sflag:s17], $0x4000  }
0x1e: {  	[sflag:s17] =	ssyncset.done $0x0  }
0x1f: {  	[sflag:s17] =	ssyncadd.s32 $0xFFFFC000  }
0x20: {  	_ =	swait.ge [sflag:s17], $0x4000  }
0x21: {  	s23 =	simm.s32 @p0 $0x400;
	[sflag:s17] =	ssyncset.done $0x0  }
0x22: {  	s30 =	sadd.s32 $0x100, s23;
	[sflag:s17] =	ssyncadd.s32 $0xFFFFC000  }
0x23: {  	[tilespmem:s18], [sflag:$0x1] =	stream.indirect.gather [hbm4b:s3+s14], $0x80, s30, s14, $0xb8;
	[tilespmem:$0x18800] =	vst v63  }
0x24: {  	s31 =	sadd.s32 $0x180, s23;
	s25 =	simm.s32 $0x0  }
0x25: {  	[tilespmem:s19], [sflag:$0x1] =	stream.indirect.gather [hbm4b:s3+s14], $0x80, s31, s14, $0xb8;
	[tilespmem:$0x18800] =	vst v63  }
0x26: {  	v0 =	vld [tilespmem:s25+$0x820]  }
0x27: {  	v1 =	vld [tilespmem:s25+$0x822]  }
0x28: {  	v2 =	vld [tilespmem:s25+$0x800]  }
0x29: {  	s28 =	simm.s32 $0x200;
	s26 =	simm.s32 $0x0;
	v3 =	vld [tilespmem:s25+$0x810]  }
.LBB2_3:
0x2a: {  	p1 =	sne.s32 s28, $0xFE00  }
.Ltmp0:
0x2b: {  	s29 =	sshra.s32 s28, $0x2;
	[tilespmem:s26+$0x10820] =	vst v0;
	(pc) =	sbr.rel @p1 .LBB2_3-.Ltmp0, $4  }
0x2c: {  	s28 =	sadd.s32 $0x200, s28;
	v0 =	vld [tilespmem:s29+$0x820];
	[tilespmem:s26+$0x10822] =	vst v1  }
0x2d: {  	v1 =	vld [tilespmem:s29+$0x822];
	[tilespmem:s26+$0x10800] =	vst v2  }
0x2e: {  	v2 =	vld [tilespmem:s29+$0x800];
	[tilespmem:s26+$0x10810] =	vst v3;
	s26 =	smov.u32 s29  }
0x2f: {  	v3 =	vld [tilespmem:s26+$0x810]  }
0x30: {  	_ = 	snop  }
0x31: {  	[tilespmem:s26+$0x10820] =	vst v0  }
0x32: {  	[tilespmem:s26+$0x10822] =	vst v1  }
0x33: {  	[tilespmem:s26+$0x10800] =	vst v2  }
0x34: {  	[tilespmem:s26+$0x10810] =	vst v3  }
0x35: {  	v3 =	vld [tilespmem:s25+$0x4820]  }
0x36: {  	v1 =	vld [tilespmem:s25+$0x4822]  }
0x37: {  	v0 =	vld [tilespmem:s25+$0x4800]  }
0x38: {  	s26 =	simm.s32 $0x200;
	v2 =	vld [tilespmem:s25+$0x4810]  }
.LBB2_5:
0x39: {  	p1 =	sne.s32 s26, $0xFE00  }
.Ltmp1:
0x3a: {  	s28 =	sshra.s32 s26, $0x2;
	[tilespmem:s25+$0x14820] =	vst v3;
	(pc) =	sbr.rel @p1 .LBB2_5-.Ltmp1, $4  }
0x3b: {  	s26 =	sadd.s32 $0x200, s26;
	v3 =	vld [tilespmem:s28+$0x4820];
	[tilespmem:s25+$0x14822] =	vst v1  }
0x3c: {  	v1 =	vld [tilespmem:s28+$0x4822];
	[tilespmem:s25+$0x14800] =	vst v0  }
0x3d: {  	v0 =	vld [tilespmem:s28+$0x4800];
	[tilespmem:s25+$0x14810] =	vst v2;
	s25 =	smov.u32 s28  }
0x3e: {  	v2 =	vld [tilespmem:s25+$0x4810]  }
0x3f: {  	_ = 	snop  }
0x40: {  	s26 =	sshll.u32 s24, $0x11;
	[tilespmem:s25+$0x14820] =	vst v3  }
0x41: {  	s26 =	sadd.s32 s8, s26;
	[tilespmem:s25+$0x14822] =	vst v1  }
0x42: {  	s26 =	sshrl.u32 s26, $0x3;
	[tilespmem:s25+$0x14800] =	vst v0  }
0x43: {  	s29 =	simm.s32 $0x0;
	s26 =	sadd.s32 s5, s26;
	[tilespmem:s25+$0x14810] =	vst v2  }
0x44: {  	[hbm4b:s26+s29] =	stream.linear.scatter [tilespmem:s20], [sflag:$0x2], $0x8000, $0x38;
	[tilespmem:$0x18800] =	vst v63  }
0x45: {  	_ =	swait.ge [sflag:s13], $0x8000  }
0x46: {  	[sflag:s13] =	ssyncset.done $0x0  }
0x47: {  	[sflag:s13] =	ssyncadd.s32 $0xFFFF8000  }
0x48: {  	_ =	swait.ge [sflag:s17], $0x4000  }
0x49: {  	[sflag:s17] =	ssyncset.done $0x0  }
0x4a: {  	[sflag:s17] =	ssyncadd.s32 $0xFFFFC000  }
0x4b: {  	_ =	swait.ge [sflag:s17], $0x4000  }
0x4c: {  	[sflag:s17] =	ssyncset.done $0x0  }
0x4d: {  	s30 =	sadd.s32 $0x200, s23;
	[sflag:s17] =	ssyncadd.s32 $0xFFFFC000  }
0x4e: {  	[tilespmem:s15], [sflag:$0x1] =	stream.indirect.gather [hbm4b:s3+s14], $0x80, s30, s14, $0xb8;
	[tilespmem:$0x18800] =	vst v63  }
0x4f: {  	s31 =	sadd.s32 $0x280, s23;
	s25 =	simm.s32 $0x0  }
0x50: {  	[tilespmem:s16], [sflag:$0x1] =	stream.indirect.gather [hbm4b:s3+s14], $0x80, s31, s14, $0xb8;
	[tilespmem:$0x18800] =	vst v63  }
0x51: {  	v0 =	vld [tilespmem:s25+$0x8820]  }
0x52: {  	v1 =	vld [tilespmem:s25+$0x8822]  }
0x53: {  	v2 =	vld [tilespmem:s25+$0x8800]  }
0x54: {  	s28 =	simm.s32 $0x200;
	s26 =	simm.s32 $0x0;
	v3 =	vld [tilespmem:s25+$0x8810]  }
.LBB2_7:
0x55: {  	p1 =	sne.s32 s28, $0xFE00  }
.Ltmp2:
0x56: {  	s29 =	sshra.s32 s28, $0x2;
	[tilespmem:s26+$0x10820] =	vst v0;
	(pc) =	sbr.rel @p1 .LBB2_7-.Ltmp2, $4  }
0x57: {  	s28 =	sadd.s32 $0x200, s28;
	v0 =	vld [tilespmem:s29+$0x8820];
	[tilespmem:s26+$0x10822] =	vst v1  }
0x58: {  	v1 =	vld [tilespmem:s29+$0x8822];
	[tilespmem:s26+$0x10800] =	vst v2  }
0x59: {  	v2 =	vld [tilespmem:s29+$0x8800];
	[tilespmem:s26+$0x10810] =	vst v3;
	s26 =	smov.u32 s29  }
0x5a: {  	v3 =	vld [tilespmem:s26+$0x8810]  }
0x5b: {  	_ = 	snop  }
0x5c: {  	[tilespmem:s26+$0x10820] =	vst v0  }
0x5d: {  	[tilespmem:s26+$0x10822] =	vst v1  }
0x5e: {  	[tilespmem:s26+$0x10800] =	vst v2  }
0x5f: {  	[tilespmem:s26+$0x10810] =	vst v3  }
0x60: {  	v3 =	vld [tilespmem:s25+$0xC820]  }
0x61: {  	v1 =	vld [tilespmem:s25+$0xC822]  }
0x62: {  	v0 =	vld [tilespmem:s25+$0xC800]  }
0x63: {  	s26 =	simm.s32 $0x200;
	v2 =	vld [tilespmem:s25+$0xC810]  }
.LBB2_9:
0x64: {  	p1 =	sne.s32 s26, $0xFE00  }
.Ltmp3:
0x65: {  	s28 =	sshra.s32 s26, $0x2;
	[tilespmem:s25+$0x14820] =	vst v3;
	(pc) =	sbr.rel @p1 .LBB2_9-.Ltmp3, $4  }
0x66: {  	s26 =	sadd.s32 $0x200, s26;
	v3 =	vld [tilespmem:s28+$0xC820];
	[tilespmem:s25+$0x14822] =	vst v1  }
0x67: {  	v1 =	vld [tilespmem:s28+$0xC822];
	[tilespmem:s25+$0x14800] =	vst v0  }
0x68: {  	v0 =	vld [tilespmem:s28+$0xC800];
	[tilespmem:s25+$0x14810] =	vst v2;
	s25 =	smov.u32 s28  }
0x69: {  	v2 =	vld [tilespmem:s25+$0xC810]  }
0x6a: {  	s24 =	sshll.u32 s24, $0x3  }
0x6b: {  	[tilespmem:s25+$0x14820] =	vst v3;
	s26 =	sadd.s32 s24, s9  }
0x6c: {  	[tilespmem:s25+$0x14822] =	vst v1;
	s26 =	sshll.u32 s26, $0xB  }
0x6d: {  	[tilespmem:s25+$0x14800] =	vst v0;
	s26 =	sand.u32 $0x1FFFD000, s26  }
0x6e: {  	s29 =	simm.s32 $0x0;
	[tilespmem:s25+$0x14810] =	vst v2;
	s26 =	sadd.s32 s5, s26  }
0x6f: {  	[hbm4b:s26+s29] =	stream.linear.scatter [tilespmem:s20], [sflag:$0x2], $0x8000, $0x38;
	[tilespmem:$0x18800] =	vst v63  }
0x70: {  	_ =	swait.ge [sflag:s13], $0x8000  }
0x71: {  	[sflag:s13] =	ssyncset.done $0x0  }
0x72: {  	[sflag:s13] =	ssyncadd.s32 $0xFFFF8000  }
0x73: {  	_ =	swait.ge [sflag:s17], $0x4000  }
0x74: {  	[sflag:s17] =	ssyncset.done $0x0  }
0x75: {  	[sflag:s17] =	ssyncadd.s32 $0xFFFFC000  }
0x76: {  	_ =	swait.ge [sflag:s17], $0x4000  }
0x77: {  	[sflag:s17] =	ssyncset.done $0x0  }
0x78: {  	s30 =	sadd.s32 $0x300, s23;
	[sflag:s17] =	ssyncadd.s32 $0xFFFFC000  }
0x79: {  	[tilespmem:s18], [sflag:$0x1] =	stream.indirect.gather [hbm4b:s3+s14], $0x80, s30, s14, $0xb8;
	[tilespmem:$0x18800] =	vst v63  }
0x7a: {  	s31 =	sadd.s32 $0x380, s23;
	s25 =	simm.s32 $0x0  }
0x7b: {  	[tilespmem:s19], [sflag:$0x1] =	stream.indirect.gather [hbm4b:s3+s14], $0x80, s31, s14, $0xb8;
	[tilespmem:$0x18800] =	vst v63  }
0x7c: {  	v0 =	vld [tilespmem:s25+$0x820]  }
0x7d: {  	v1 =	vld [tilespmem:s25+$0x822]  }
0x7e: {  	v2 =	vld [tilespmem:s25+$0x800]  }
0x7f: {  	s28 =	simm.s32 $0x200;
	s26 =	simm.s32 $0x0;
	v3 =	vld [tilespmem:s25+$0x810]  }
.LBB2_11:
0x80: {  	p1 =	sne.s32 s28, $0xFE00  }
.Ltmp4:
0x81: {  	s29 =	sshra.s32 s28, $0x2;
	[tilespmem:s26+$0x10820] =	vst v0;
	(pc) =	sbr.rel @p1 .LBB2_11-.Ltmp4, $4  }
0x82: {  	s28 =	sadd.s32 $0x200, s28;
	v0 =	vld [tilespmem:s29+$0x820];
	[tilespmem:s26+$0x10822] =	vst v1  }
0x83: {  	v1 =	vld [tilespmem:s29+$0x822];
	[tilespmem:s26+$0x10800] =	vst v2  }
0x84: {  	v2 =	vld [tilespmem:s29+$0x800];
	[tilespmem:s26+$0x10810] =	vst v3;
	s26 =	smov.u32 s29  }
0x85: {  	v3 =	vld [tilespmem:s26+$0x810]  }
0x86: {  	_ = 	snop  }
0x87: {  	[tilespmem:s26+$0x10820] =	vst v0  }
0x88: {  	[tilespmem:s26+$0x10822] =	vst v1  }
0x89: {  	[tilespmem:s26+$0x10800] =	vst v2  }
0x8a: {  	[tilespmem:s26+$0x10810] =	vst v3  }
0x8b: {  	v3 =	vld [tilespmem:s25+$0x4820]  }
0x8c: {  	v1 =	vld [tilespmem:s25+$0x4822]  }
0x8d: {  	v0 =	vld [tilespmem:s25+$0x4800]  }
0x8e: {  	s26 =	simm.s32 $0x200;
	v2 =	vld [tilespmem:s25+$0x4810]  }
.LBB2_13:
0x8f: {  	p1 =	sne.s32 s26, $0xFE00  }
.Ltmp5:
0x90: {  	s28 =	sshra.s32 s26, $0x2;
	[tilespmem:s25+$0x14820] =	vst v3;
	(pc) =	sbr.rel @p1 .LBB2_13-.Ltmp5, $4  }
0x91: {  	s26 =	sadd.s32 $0x200, s26;
	v3 =	vld [tilespmem:s28+$0x4820];
	[tilespmem:s25+$0x14822] =	vst v1  }
0x92: {  	v1 =	vld [tilespmem:s28+$0x4822];
	[tilespmem:s25+$0x14800] =	vst v0  }
0x93: {  	v0 =	vld [tilespmem:s28+$0x4800];
	[tilespmem:s25+$0x14810] =	vst v2;
	s25 =	smov.u32 s28  }
0x94: {  	v2 =	vld [tilespmem:s25+$0x4810]  }
0x95: {  	_ = 	snop  }
0x96: {  	s26 =	sadd.s32 s24, s10;
	[tilespmem:s25+$0x14820] =	vst v3  }
0x97: {  	s26 =	sshll.u32 s26, $0xB;
	[tilespmem:s25+$0x14822] =	vst v1  }
0x98: {  	s26 =	sand.u32 $0x1FFFE000, s26;
	[tilespmem:s25+$0x14800] =	vst v0  }
0x99: {  	s31 =	sadd.s32 s5, s26;
	[tilespmem:s25+$0x14810] =	vst v2  }
0x9a: {  	[hbm4b:s31+s2] =	stream.linear.scatter [tilespmem:s20], [sflag:$0x2], $0x8000, $0x38;
	[tilespmem:$0x18800] =	vst v63  }
0x9b: {  	_ =	swait.ge [sflag:s13], $0x8000  }
0x9c: {  	[sflag:s13] =	ssyncset.done $0x0  }
0x9d: {  	[sflag:s13] =	ssyncadd.s32 $0xFFFF8000  }
0x9e: {  	_ =	swait.ge [sflag:s17], $0x4000  }
0x9f: {  	[sflag:s17] =	ssyncset.done $0x0  }
0xa0: {  	[sflag:s17] =	ssyncadd.s32 $0xFFFFC000  }
0xa1: {  	_ =	swait.ge [sflag:s17], $0x4000  }
0xa2: {  	s28 =	simm.s32 @!p0 $0x800;
	[sflag:s17] =	ssyncset.done $0x0  }
0xa3: {  	s26 =	simm.s32 @!p0 $0x80;
	s25 =	ssub.s32 @!p0 $0x400, s23;
	[sflag:s17] =	ssyncadd.s32 $0xFFFFC000  }
0xa4: {  	[tilespmem:s28], [sflag:$0x1] =	stream.indirect.gather @!p0 [hbm4b:s3+s26], $0x80, s25, s26, $0xb8;
	[tilespmem:$0x18800] =	vst v63  }
0xa5: {  	s23 =	ssub.s32 @!p0 $0x480, s23;
	s25 =	simm.s32 @!p0 $0x4800  }
0xa6: {  	[tilespmem:s25], [sflag:$0x1] =	stream.indirect.gather @!p0 [hbm4b:s3+s26], $0x80, s23, s26, $0xb8;
	[tilespmem:$0x18800] =	vst v63  }
0xa7: {  	s23 =	simm.s32 $0x0  }
0xa8: {  	v0 =	vld [tilespmem:s23+$0x8820]  }
0xa9: {  	v1 =	vld [tilespmem:s23+$0x8822]  }
0xaa: {  	v2 =	vld [tilespmem:s23+$0x8800]  }
0xab: {  	s26 =	simm.s32 $0x200;
	s25 =	simm.s32 $0x0;
	v3 =	vld [tilespmem:s23+$0x8810]  }
.LBB2_15:
0xac: {  	p0 =	sne.s32 s26, $0xFE00  }
.Ltmp6:
0xad: {  	s28 =	sshra.s32 s26, $0x2;
	[tilespmem:s25+$0x10820] =	vst v0;
	(pc) =	sbr.rel @p0 .LBB2_15-.Ltmp6, $4  }
0xae: {  	s26 =	sadd.s32 $0x200, s26;
	v0 =	vld [tilespmem:s28+$0x8820];
	[tilespmem:s25+$0x10822] =	vst v1  }
0xaf: {  	v1 =	vld [tilespmem:s28+$0x8822];
	[tilespmem:s25+$0x10800] =	vst v2  }
0xb0: {  	v2 =	vld [tilespmem:s28+$0x8800];
	[tilespmem:s25+$0x10810] =	vst v3;
	s25 =	smov.u32 s28  }
0xb1: {  	v3 =	vld [tilespmem:s25+$0x8810]  }
0xb2: {  	_ = 	snop  }
0xb3: {  	[tilespmem:s25+$0x10820] =	vst v0  }
0xb4: {  	[tilespmem:s25+$0x10822] =	vst v1  }
0xb5: {  	[tilespmem:s25+$0x10800] =	vst v2  }
0xb6: {  	[tilespmem:s25+$0x10810] =	vst v3  }
0xb7: {  	v3 =	vld [tilespmem:s23+$0xC820]  }
0xb8: {  	v1 =	vld [tilespmem:s23+$0xC822]  }
0xb9: {  	v0 =	vld [tilespmem:s23+$0xC800]  }
0xba: {  	s25 =	simm.s32 $0x200;
	v2 =	vld [tilespmem:s23+$0xC810]  }
.LBB2_17:
0xbb: {  	p0 =	sne.s32 s25, $0xFE00  }
.Ltmp7:
0xbc: {  	s26 =	sshra.s32 s25, $0x2;
	[tilespmem:s23+$0x14820] =	vst v3;
	(pc) =	sbr.rel @p0 .LBB2_17-.Ltmp7, $4  }
0xbd: {  	s25 =	sadd.s32 $0x200, s25;
	v3 =	vld [tilespmem:s26+$0xC820];
	[tilespmem:s23+$0x14822] =	vst v1  }
0xbe: {  	v1 =	vld [tilespmem:s26+$0xC822];
	[tilespmem:s23+$0x14800] =	vst v0  }
0xbf: {  	v0 =	vld [tilespmem:s26+$0xC800];
	[tilespmem:s23+$0x14810] =	vst v2;
	s23 =	smov.u32 s26  }
0xc0: {  	v2 =	vld [tilespmem:s23+$0xC810]  }
0xc1: {  	_ = 	snop  }
0xc2: {  	s24 =	sadd.s32 s24, s11;
	[tilespmem:s23+$0x14820] =	vst v3  }
0xc3: {  	s24 =	sshll.u32 s24, $0xB;
	[tilespmem:s23+$0x14822] =	vst v1  }
0xc4: {  	p0 =	sne.s32 s22, $0x64;
	s24 =	sand.u32 $0x1FFFF000, s24;
	[tilespmem:s23+$0x14800] =	vst v0  }
.Ltmp8:
0xc5: {  	s31 =	sadd.s32 s5, s24;
	[tilespmem:s23+$0x14810] =	vst v2;
	(pc) =	sbr.rel @p0 .LBB2_2-.Ltmp8, $4  }
0xc6: {  	[hbm4b:s31+s2] =	stream.linear.scatter [tilespmem:s20], [sflag:$0x2], $0x8000, $0x38;
	[tilespmem:$0x18800] =	vst v63  }
0xc7: {  	_ =	swait.ge [sflag:s13], $0x8000  }
0xc8: {  	[sflag:s13] =	ssyncset.done $0x0  }
0xc9: {  	s24 =	smov.u32 s22;
	[sflag:s13] =	ssyncadd.s32 $0xFFFF8000  }
0xca: {  	s21 =	sadd.s32 $0x1, s21  }
0xcb: {  	p0 =	sne.s32 s21, s12  }
.Ltmp9:
0xcc: {  	_ = 	snop;
	(pc) =	sbr.rel @p0 .LBB2_1-.Ltmp9, $1  }
0xcd: {  	_ =	sdelay $0x3  }
0xce: {  	_ =	sfence.sel $0x180000  }
0xcf: {  	[bflag:$0x0] =	sbarrier.arrive $0xFFFF  }
0xd0: {  	p0 =	sne.s32 s1, $0x0;
	_ =	strace $0x90000047  }
0xd1: {  	s0 =	sadd.s32 @!p0 $0x100000, s0;
	[bflag:$0x2] =	sbarrier.arrive $0xFFFF  }
0xd2: {  	[sflag:s0] =	ssyncadd.tile.s32 @!p0 $0x1;
	_ =	shalt  }
.Lfunc_end2:
_tile_overlayer_lowered:
.L_overlay_start_2:
0xd3: {  	(tag) =	ssettag $0x2  }
0xd4: {  	s0 =	rddreg [dreg:$0x0];
	s2 =	stileid.u32  }
0xd5: {  	s1 =	rddreg [dreg:$0x1];
	p0 =	sne.s32 s2, $0x0  }
0xd6: {  	s3 =	rddreg [dreg:$0x2];
	[bflag:$0x3] =	sbarrier.arrive $0xFFFF;
	s2 =	simm.s32 @!p0 $0x1C02  }
0xd7: {  	[timem:s3], [sflag:s2] =	dma.local @!p0 [hbm:s0], s1  }
0xd8: {  	s0 =	simm.s32 @!p0 $0x2  }
0xd9: {  	_ =	swait.ge @!p0 [sflag:s0], s1  }
0xda: {  	s1 =	ssub.s32 @!p0 $0x0, s1;
	[sflag:s0] =	ssyncset.done @!p0 $0x0  }
0xdb: {  	[sflag:s0] =	ssyncadd.s32 @!p0 s1  }
0xdc: {  	[bflag:$0x3] =	sbarrier.arrive $0xFFFF  }
0xdd: {  	_ =	shalt  }

// kernel: sparse-core-data-format-call.cloned.1.call-start
scs
called_computation_lowered:
.L_overlay_start_0:
0x0: {  	s2 =	sld [smem:$0x3FD9]  }
0x1: {  	s3 =	sld [smem:$0x3FFE];
	_ =	sdelay $0x1  }
0x2: {  	s1 =	srdreg.scid  }
0x3: {  	s0 =	sand.u32 $0x1, s1  }
0x4: {  	s18 =	sshll.u32 s0, $0xA;
	s2 =	sadd.s32 s3, s2  }
0x5: {  	s2 =	sadd.s32 s2, s18  }
0x6: {  	[smem:$0x3FC6] =	sst s2  }
0x7: {  	_ = 	snop  }
0x8: {  	s2 =	sld [smem:$0x3FD0];
	(tm) =	ssettm $0x1  }
0x9: {  	s19 =	sld [smem:$0x3FFB];
	_ =	sdelay $0x3  }
0xa: {  	_ =	strace s19  }
0xb: {  	s3 =	sld [smem:$0x3FFC];
	_ =	sdelay $0x3  }
0xc: {  	_ =	strace s3  }
0xd: {  	s3 =	sld [smem:$0x3FFD];
	_ =	sdelay $0x3  }
0xe: {  	_ =	strace s3  }
0xf: {  	_ =	strace $0x8FFFFFFF  }
0x10: {  	s20 =	sld [smem:$0x3FDB];
	_ =	sdelay $0x1  }
0x11: {  	s4 =	simm.s32 $_scs_section_size  }
0x12: {  	s5 =	simm.s32 $_size__tile_overlayer_lowered;
	s6 =	simm.s32 $_tile_overlayer_lowered  }
0x13: {  	s23 =	simm.s32 $0x1BFF;
	s22 =	sshll.u32 s6, $0x1;
	s3 =	sadd.s32 s4, s20  }
0x14: {  	s7 =	simm.s32 $0x0;
	s21 =	sshll.u32 s5, $0x1;
	s5 =	sadd.s32 s22, s3  }
0x15: {  	[timem:s7], [sflag:s23] =	dma.local [hbm:s5], s21  }
0x16: {  	_ =	swait.ge [sflag:s23], s21  }
0x17: {  	s4 =	ssub.s32 $0x0, s21;
	[sflag:s23] =	ssyncset.done $0x0  }
0x18: {  	[sflag:s23] =	ssyncadd.s32 s4;
	_ =	sdelay $0x1  }
0x19: {  	s24 =	simm.s32 $0x1B8B  }
0x1a: {  	_ =	swait.ge [sflag:s24], $0x1  }
0x1b: {  	[sflag:s24] =	ssyncset.done $0x0  }
0x1c: {  	s26 =	simm.s32 $0x1B8E;
	s25 =	sld [smem:$0x3FFE];
	[sflag:s24] =	ssyncadd.s32 $0xFFFFFFFF  }
0x1d: {  	s27 =	simm.s32 $execute0_lowered;
	[smem:$0x3FD2] =	sst s26  }
0x1e: {  	s5 =	sshll.u32 s27, $0x1;
	_ =	strace $0x80000049;
	[dreg:$0x1] =	wrdreg $0xFFFFFFFF  }
0x1f: {  	s28 =	simm.s32 $_size_execute0_lowered;
	s3 =	sadd.s32 s3, s5;
	[dreg:$0x0] =	wrdreg $0x0  }
0x20: {  	s5 =	sshll.u32 s28, $0x1;
	[dreg:$0x2] =	wrdreg s3  }
0x21: {  	[dreg:$0x3] =	wrdreg s5  }
0x22: {  	[dreg:$0x4] =	wrdreg $0xC0  }
0x23: {  	_ =	task [dreg:s7], $0x5FFFF  }
0x24: {  	[dreg:$0x1] =	wrdreg $0xFFFFFFFF  }
0x25: {  	[dreg:$0x0] =	wrdreg $0x60  }
0x26: {  	[dreg:$0x2] =	wrdreg s25  }
0x27: {  	[dreg:$0x3] =	wrdreg s2  }
0x28: {  	[dreg:$0x4] =	wrdreg $0x9  }
0x29: {  	_ =	task.clear_ibuf [dreg:s7], $0x5FFFF;
	_ =	strace $0x90000049  }
0x2a: {  	s29 =	simm.s32 $0x9;
	_ =	strace $0x8000004B  }
0x2b: {  	_ =	swait.ge [sflag:s29], $0x1  }
0x2c: {  	[sflag:s29] =	ssyncadd.s32 $0xFFFFFFFF  }
0x2d: {  	_ =	strace $0x9000004B  }
0x2e: {  	_ =	sfence  }
0x2f: {  	s30 =	sld [smem:$0x0];
	_ =	sdelay $0x2  }
0x30: {  	s31 =	sshll.u32 s1, $0xD;
	s1 =	sshrl.u32 s1, $0x2  }
0x31: {  	s3 =	sand.u32 $0x4000, s31;
	s1 =	sadd.s32 s1, s30  }
0x32: {  	s0 =	sor.u32 s3, s0;
	s1 =	sshll.u32 s1, $0x11  }
0x33: {  	s0 =	sor.u32 s1, s0  }
0x34: {  	s0 =	sadd.s32 $0x8F2B, s0  }
0x35: {  	[sflag:s0] =	ssyncadd.remote.s32 $0x1  }
0x36: {  	_ =	sfence.sel $0xFFFF  }
0x37: {  	[dreg:$0x0] =	wrdreg $0xFFFFFFFF;
	(pc) =	sbr.abs _section_cstart, $3  }
0x38: {  	[dreg:$0x1] =	wrdreg $0xFFFFFFFF  }
0x39: {  	_ =	task.clear_ibuf [dreg:s7], $0x2FFFF;
	_ =	strace $0x9FFFFFFF  }
0x3a: {  	(tm) =	ssettm $0x7FFFFFFF  }
0x3b: {  	_ =	shalt  }
tec
execute0_lowered:
.L_overlay_start_1:
0x0: {  	(tag) =	ssettag $0x1  }
0x1: {  	s0 =	srdreg.scid  }
0x2: {  	s1 =	sshll.u32 s0, $0x4  }
0x3: {  	s6 =	rddreg [dreg:$0x0];
	s0 =	stileid.u32;
	s1 =	sand.u32 $0x10, s1  }
0x4: {  	s3 =	rddreg [dreg:$0x1];
	s1 =	sor.u32 s0, s1  }
0x5: {  	s5 =	simm.s32 $0x1;
	s31 =	simm.s32 $0x2;
	s2 =	sshll.u32 s1, $0x7  }
0x6: {  	s15 =	simm.s32 $0x0;
	s8 =	simm.s32 $0x320000;
	s4 =	ssub.s32 $0x4000, s2  }
0x7: {  	s14 =	simm.s32 $0x0;
	s9 =	simm.s32 $0x0;
	s30 =	sand.u32 $0xF80, s4  }
0x8: {  	s10 =	simm.s32 $0x0;
	s11 =	simm.s32 $0x0;
	p0 =	sne.s32 s30, $0x0  }
.Ltmp0:
0x9: {  	s7 =	sshrl.u32 s4, $0xC;
	s5 =	simm.s32 @!p0 $0x0;
	(pc) =	sbr.rel .LBB1_1-.Ltmp0, $4  }
0xa: {  	s13 =	simm.s32 $0x0;
	s1 =	rddreg [dreg:$0x2];
	s5 =	sadd.s32 s5, s7  }
0xb: {  	_ =	strace $0x8000004A;
	s4 =	simm.s32 $0x1;
	s5 =	smul.u32 $0xC8, s5  }
0xc: {  	s6 =	sadd.s32 $0x67F200, s6;
	s12 =	smov.u32 s2;
	[sflag:s4] =	ssyncpa.u1 $0x0  }
0xd: {  	[sflag:s31] =	ssyncpa.u1 $0x0;
	p0 =	por $0x0, $0x0;
	s7 =	sor.u32 $0x1, s5  }
.LBB1_4:
0xe: {  	s18 =	sshll.u32 s9, $0xE;
	s19 =	sand.u32 $0x78, s10;
	s20 =	sshll.u32 s10, $0x3  }
0xf: {  	s22 =	sshll.u32 s9, $0x7;
	p1 =	sgt.s32 s9, $0xC7;
	s25 =	sshra.s32 s9, $0x1F  }
0x10: {  	s23 =	smov.u32 s10;
	s24 =	sshra.s32 s10, $0x1F;
	s29 =	sand.u32 $0x7, s10  }
0x11: {  	s18 =	sand.u32 $0xFFFE0000, s18;
	s21 =	sand.u32 $0xFFFFFC00, s20;
	s20 =	sand.u32 $0x3C00, s20  }
0x12: {  	s30 =	sand.u32 $0x380, s22;
	s22 =	sand.u32 s25, s9;
	s18 =	sadd.s32 s21, s18  }
0x13: {  	s19 =	sor.u32 s19, s20;
	s20 =	smov.u32 s9;
	s18 =	sshrl.u32 s18, $0xE  }
0x14: {  	s20 =	simm.s32 @!p1 $0xC7;
	p1 =	sgt.s32 s10, $0x3F80;
	s31 =	smulhi.u32 $0x147AE15, s18  }
0x15: {  	s26 =	sand.u32 s24, s10;
	s20 =	ssub.s32 s20, s22;
	s23 =	simm.s32 @!p1 $0x3F80  }
0x16: {  	s27 =	ssub.s32 $0xC8, s20;
	s22 =	ssub.s32 s23, s26;
	s21 =	smul.u32 $0xC8, s31  }
0x17: {  	s20 =	sadd.s32 $0xFFFFFF39, s20;
	s23 =	smul.u32 $0x32, s27;
	s28 =	sadd.s32 $0xFFFFC080, s22  }
0x18: {  	p1 =	sgt.s32 s20, $0x0;
	s20 =	ssub.s32 $0x4000, s22;
	p2 =	sgt.s32 s28, $0x7F  }
0x19: {  	s19 =	sor.u32 s30, s19;
	s23 =	simm.s32 @p1 $0x0;
	s20 =	simm.s32 @p2 $0x0  }
0x1a: {  	[tilespmem:s17+$0x810 ss:$0x81] =	vst.msk $0xffff, v2;
	s19 =	sshrl.u32 s19, $0x3;
	s18 =	ssub.s32 s18, s21;
	s20 =	smul.u32 s20, s23  }
0x1b: {  	[tilespmem:s17+$0x1020 ss:$0x81] =	vst.msk $0xffff, v0;
	s19 =	sadd.s32 s3, s19;
	s21 =	sshll.u32 s29, $0x12;
	s18 =	sshll.u32 s18, $0xB  }
0x1c: {  	[tilespmem:s17+$0x0 ss:$0x81] =	vst.msk $0xffff, v1;
	s31 =	sor.u32 $0x80, s21;
	s18 =	sadd.s32 s18, s19;
	s30 =	sand.u32 $0x3FFFFFFE, s20  }
0x1d: {  	[hbm4b:s18+s31] =	stream.strided.scatter [tilespmem:s16], [sflag:$0x2], s30, s8, s31, $0x20;
	[tilespmem:$0x8080] =	vst v63  }
.LBB1_5:
0x1e: {  	p1 =	slt.u32 s13, $0x2  }
0x1f: {  	s17 =	smov.u32 s15;
	p2 =	sgt.s32 @!p1 s15, $0xC7;
	s16 =	sshra.s32 @!p1 s15, $0x1F  }
0x20: {  	p3 =	sgt.s32 @!p1 s14, $0x3F80;
	s18 =	sshra.s32 @!p1 s14, $0x1F;
	p2 =	por !p2, p1  }
0x21: {  	s15 =	sand.u32 @!p1 s16, s15;
	p3 =	por !p3, p1;
	s16 =	smov.u32 s14  }
0x22: {  	s14 =	sand.u32 @!p1 s18, s14;
	s17 =	simm.s32 @p2 $0xC7;
	s16 =	simm.s32 @p3 $0x3F80  }
0x23: {  	s18 =	smov.u32 s12;
	s15 =	ssub.s32 @!p1 s17, s15;
	s14 =	ssub.s32 @!p1 s16, s14  }
0x24: {  	s16 =	sadd.s32 @!p1 $0xFFFFFF39, s15;
	s15 =	ssub.s32 @!p1 $0xC8, s15;
	s17 =	sadd.s32 @!p1 $0xFFFFC080, s14  }
0x25: {  	p2 =	sgt.s32 @!p1 s16, $0x0;
	s15 =	smul.u32 @!p1 $0x32, s15;
	p3 =	sgt.s32 @!p1 s17, $0x7F  }
0x26: {  	s14 =	ssub.s32 @!p1 $0x4000, s14;
	p2 =	por !p2, p1;
	p3 =	por !p3, p1  }
0x27: {  	s16 =	sadd.s32 $0x1, s11;
	s15 =	simm.s32 @!p2 $0x0;
	s14 =	simm.s32 @!p3 $0x0  }
0x28: {  	p2 =	sgt.s32 s16, $0xC7;
	s14 =	smul.u32 @!p1 s14, s15;
	s15 =	sadd.s32 $0x1000, s12  }
0x29: {  	s18 =	smov.u32 @p2 s15  }
0x2a: {  	s16 =	simm.s32 @p2 $0x0;
	p2 =	sgt.s32 s18, $0x3FFF  }
0x2b: {  	s18 =	smov.u32 @p2 s2;
	p2 =	sne.s32 s13, s7  }
.Ltmp1:
0x2c: {  	p0 =	por !p0, !p0;
	s17 =	simm.s32 @!p1 $0x2;
	(pc) =	sbr.rel @!p2 .LBB1_6-.Ltmp1, $4  }
0x2d: {  	s15 =	smov.u32 s9;
	s9 =	smov.u32 s11;
	s14 =	sand.u32 @!p1 $0x3FFFFFFE, s14  }
0x2e: {  	s11 =	smov.u32 s16;
	_ =	swait.ge @!p1 [sflag:s17], s14;
	s19 =	ssub.s32 @!p1 $0x0, s14  }
0x2f: {  	s14 =	smov.u32 s10;
	s13 =	sadd.s32 $0x1, s13;
	[sflag:s17] =	ssyncset.done @!p1 $0x0  }
0x30: {  	s10 =	smov.u32 s12;
	s12 =	smov.u32 s18;
	[sflag:s17] =	ssyncadd.s32 @!p1 s19  }
.LBB1_1:
0x31: {  	p1 =	sge.u32 s13, s5  }
0x32: {  	s16 =	sand.u32 @!p1 $0x1FFFFFF, s11  }
0x33: {  	s17 =	smulhi.u32 @!p1 $0x147AE15, s16;
	_ =	sdelay $0x1  }
0x34: {  	s17 =	smul.u32 @!p1 $0xC8, s17  }
0x35: {  	s18 =	sxor.u32 @!p1 $0xFFFFFFFF, s13;
	s19 =	smul.u32 @!p1 $0xC80, s12  }
0x36: {  	s31 =	sadd.s32 $0xFFFFFFFF, s13;
	s18 =	sshll.u32 @!p1 s18, $0xD;
	s16 =	ssub.s32 @!p1 s16, s17  }
0x37: {  	s17 =	sand.u32 @!p1 $0x2000, s18;
	s18 =	sadd.s32 @!p1 s6, s19;
	s16 =	sshll.u32 @!p1 s16, $0x4  }
0x38: {  	s19 =	simm.s32 @!p1 $0x6400;
	s16 =	sadd.s32 @!p1 s16, s18;
	s18 =	simm.s32 @!p1 $0x40  }
0x39: {  	[tilespmem:s17], [sflag:$0x1] =	stream.strided.gather @!p1 [hbm4b:s16+s18], $0x2000, s19, s18, $0x38;
	[tilespmem:$0x8080] =	vst v63  }
0x3a: {  	p1 =	sge.u32 s31, s5  }
.Ltmp2:
0x3b: {  	_ = 	snop;
	(pc) =	sbr.rel @p1 .LBB1_5-.Ltmp2, $1  }
0x3c: {  	_ =	sdelay $0x3  }
0x3d: {  	s16 =	simm.s32 $0x1  }
0x3e: {  	_ =	swait.ge [sflag:s4], $0x2000;
	s16 =	simm.s32 @!p0 $0x0  }
0x3f: {  	[sflag:s4] =	ssyncset.done $0x0;
	s17 =	sshll.u32 s16, $0xD  }
0x40: {  	[sflag:s4] =	ssyncadd.s32 $0xFFFFE000;
	s20 =	sor.u32 $0x20, s17  }
0x41: {  	s16 =	smul.u32 $0x8100, s16;
	v3 =	vld [tilespmem:s20+$0x10]  }
0x42: {  	s30 =	sand.u32 $0x1, s13;
	v2 =	vld [tilespmem:s20+$0xFFFFFFF0]  }
0x43: {  	s17 =	smul.u32 $0x8100, s30;
	s16 =	sshrl.u32 s16, $0x2;
	v0 =	vld [tilespmem:s20+$0x0]  }
0x44: {  	v1 =	vld [tilespmem:s20+$0xFFFFFFE0];
	s18 =	sor.u32 $0x4000, s16  }
0x45: {  	s31 =	sshrl.u32 s17, $0x2;
	s17 =	sadd.s32 $0x0, s18  }
0x46: {  	s19 =	simm.s32 $0x4;
	s20 =	sadd.s32 $0x40, s20;
	s16 =	sor.u32 $0x4000, s31;
	[tilespmem:s17+$0x1830 ss:$0x81] =	vst.msk $0xffff, v3  }
.LBB1_3:
0x47: {  	v3 =	vld [tilespmem:s20+$0x10];
	p1 =	sne.s32 s19, $0x1FC;
	[tilespmem:s17+$0x810 ss:$0x81] =	vst.msk $0xffff, v2;
	s21 =	smov.u32 s19;
	s19 =	sadd.s32 $0x4, s19  }
.Ltmp3:
0x48: {  	v2 =	vld [tilespmem:s20+$0xFFFFFFF0];
	[tilespmem:s17+$0x1020 ss:$0x81] =	vst.msk $0xffff, v0;
	(pc) =	sbr.rel @p1 .LBB1_3-.Ltmp3, $4  }
0x49: {  	v0 =	vld [tilespmem:s20+$0x0];
	[tilespmem:s17+$0x0 ss:$0x81] =	vst.msk $0xffff, v1  }
0x4a: {  	s17 =	sshra.s32 s21, $0x2;
	v1 =	vld [tilespmem:s20+$0xFFFFFFE0]  }
0x4b: {  	s17 =	sadd.s32 s17, s18  }
0x4c: {  	s20 =	sadd.s32 $0x40, s20;
	[tilespmem:s17+$0x1830 ss:$0x81] =	vst.msk $0xffff, v3  }
.Ltmp4:
0x4d: {  	_ = 	snop;
	(pc) =	sbr.rel .LBB1_4-.Ltmp4, $1  }
0x4e: {  	_ =	sdelay $0x3  }
.LBB1_6:
0x4f: {  	_ =	sfence.sel $0x180000  }
0x50: {  	s2 =	simm.s32 $0x1;
	[bflag:$0x0] =	sbarrier.arrive $0xFFFF  }
0x51: {  	s31 =	simm.s32 $0x2;
	[sflag:s2] =	ssyncpa.u1 $0x1  }
0x52: {  	[sflag:s31] =	ssyncpa.u1 $0x1  }
0x53: {  	p0 =	sne.s32 s0, $0x0;
	_ =	strace $0x9000004A  }
0x54: {  	s0 =	sadd.s32 @!p0 $0x100000, s1;
	[bflag:$0x2] =	sbarrier.arrive $0xFFFF  }
0x55: {  	[sflag:s0] =	ssyncadd.tile.s32 @!p0 $0x1;
	_ =	shalt  }
.Lfunc_end1:
_tile_overlayer_lowered:
.L_overlay_start_2:
0x56: {  	(tag) =	ssettag $0x2  }
0x57: {  	s0 =	rddreg [dreg:$0x0];
	s2 =	stileid.u32  }
0x58: {  	s1 =	rddreg [dreg:$0x1];
	p0 =	sne.s32 s2, $0x0  }
0x59: {  	s3 =	rddreg [dreg:$0x2];
	[bflag:$0x3] =	sbarrier.arrive $0xFFFF;
	s2 =	simm.s32 @!p0 $0x1C01  }
0x5a: {  	[timem:s3], [sflag:s2] =	dma.local @!p0 [hbm:s0], s1  }
0x5b: {  	s0 =	simm.s32 @!p0 $0x1  }
0x5c: {  	_ =	swait.ge @!p0 [sflag:s0], s1  }
0x5d: {  	s1 =	ssub.s32 @!p0 $0x0, s1;
	[sflag:s0] =	ssyncset.done @!p0 $0x0  }
0x5e: {  	[sflag:s0] =	ssyncadd.s32 @!p0 s1  }
0x5f: {  	[bflag:$0x3] =	sbarrier.arrive $0xFFFF  }
0x60: {  	_ =	shalt  }

</sc_bundles>
